<compile_context>
chip_gen: v7x
topology: tpu7x:2x2x1
jax: 0.10.2.dev20260603
libtpu: 0.0.44.dev20260713+nightly
codegen_flags: <defaults>
</compile_context>

<pallas_src>
import functools

import jax
import jax.numpy as jnp
from jax import lax
from jax.experimental import pallas as pl
from jax.experimental.pallas import tpu as pltpu
from jax.experimental.pallas import tpu_sc as plsc

N_NODES_ = 10000
N_EDGES_ = 320000
D_ = 128

NC = 2
NS = 16
CPT = D_ // NS
ROWS_PER_CORE = N_EDGES_ // NC
NBUF = 4
W = 500
NWIN = ROWS_PER_CORE // W
CHUNKS = (W * CPT) // 16


def _sc_scatter_partials(idx_hbm, src_hbm, input_hbm, part_hbm,
                         acc, idxb, srcb, isems, ssems):
    cid = lax.axis_index("c")
    sid = lax.axis_index("s")
    col0 = sid * CPT
    row_base = cid * ROWS_PER_CORE

    iota = lax.iota(jnp.int32, 16)
    col8 = jnp.bitwise_and(iota, CPT - 1)
    pat = jnp.right_shift(iota, 3)
    zeros16 = jnp.zeros((16,), jnp.float32)

    def copies(buf, w):
        row0 = row_base + w * W
        ci = pltpu.make_async_copy(
            idx_hbm.at[pl.ds(row0, W), pl.ds(col0, CPT)], idxb.at[buf],
            isems.at[buf])
        cs = pltpu.make_async_copy(
            src_hbm.at[pl.ds(row0, W), pl.ds(col0, CPT)], srcb.at[buf],
            ssems.at[buf])
        return ci, cs

    def start(buf, w):
        ci, cs = copies(buf, w)
        ci.start()
        cs.start()

    def wait(buf, w):
        ci, cs = copies(buf, w)
        ci.wait()
        cs.wait()

    for b in range(NBUF):
        start(b, b)

    @pl.when(cid == 0)
    def _():
        pltpu.sync_copy(input_hbm.at[:, pl.ds(col0, CPT)], acc)

    @pl.when(cid != 0)
    def _():
        def zero_body(k, _):
            rowv = pat + 2 * k
            plsc.store_scatter(acc, [rowv, col8], zeros16)
            return 0
        lax.fori_loop(0, N_NODES_ // 2, zero_body, 0)

    def compute(buf):
        ib = idxb.at[buf]
        sb = srcb.at[buf]

        @plsc.parallel_loop(0, CHUNKS, unroll=8)
        def chunk_body(k):
            rowv = pat + 2 * k
            iv = plsc.load_gather(ib, [rowv, col8])
            vv = plsc.load_gather(sb, [rowv, col8])
            plsc.addupdate_scatter(acc, [iv, col8], vv)

    def ring_body(i, _):
        for b in range(NBUF):
            w = i * NBUF + b
            wait(b, w)
            compute(b)

            @pl.when(w + NBUF < NWIN)
            def _():
                start(b, w + NBUF)
        return 0

    lax.fori_loop(0, NWIN // NBUF, ring_body, 0)

    pltpu.sync_copy(acc, part_hbm.at[cid, :, pl.ds(col0, CPT)])


def _combine_body(p_ref, o_ref):
    o_ref[...] = p_ref[0] + p_ref[1]


@jax.jit
def _run(input_tensor, index_tensor, src_tensor):
    idx32 = index_tensor.astype(jnp.int32)

    mesh = plsc.VectorSubcoreMesh(core_axis_name="c", subcore_axis_name="s",
                                  num_cores=NC, num_subcores=NS)
    partials = pl.kernel(
        _sc_scatter_partials,
        out_type=jax.ShapeDtypeStruct((NC, N_NODES_, D_), jnp.float32),
        mesh=mesh,
        scratch_types=[
            pltpu.VMEM((N_NODES_, CPT), jnp.float32),
            pltpu.VMEM((NBUF, W, CPT), jnp.int32),
            pltpu.VMEM((NBUF, W, CPT), jnp.float32),
            pltpu.SemaphoreType.DMA((NBUF,)),
            pltpu.SemaphoreType.DMA((NBUF,)),
        ],
        compiler_params=pltpu.CompilerParams(use_tc_tiling_on_sc=False,
                                             needs_layout_passes=False),
    )(idx32, src_tensor, input_tensor)

    rows_blk = 1000
    out = pl.pallas_call(
        _combine_body,
        grid=(N_NODES_ // rows_blk,),
        in_specs=[pl.BlockSpec((NC, rows_blk, D_), lambda i: (0, i, 0))],
        out_specs=pl.BlockSpec((rows_blk, D_), lambda i: (i, 0)),
        out_shape=jax.ShapeDtypeStruct((N_NODES_, D_), jnp.float32),
    )(partials)
    return out


def kernel(input_tensor, index_tensor, src_tensor):
    return _run(input_tensor, index_tensor, src_tensor)

# --- scband reference (transcript-rebuilt; emitter-appended) ---
"""Pipeline reference for scband-model-18726057411281 (READ-ONLY COPY).

The authoritative reference and input builder live on the scoring server;
editing this copy changes nothing except your own understanding.
"""

import jax, jax.numpy as jnp
import numpy as np

N_NODES = 10000
N_EDGES = 320000
D = 128

def setup_inputs(seed: int = 0) -> dict:
    key = jax.random.key(seed)
    k1, k2, k3 = jax.random.split(key, 3)
    input_tensor = jax.random.normal(k1, (N_NODES, D), dtype=jnp.float32)
    index_tensor = jax.random.randint(k2, (N_EDGES, D), 0, N_NODES, dtype=jnp.int64)
    src_tensor = jax.random.normal(k3, (N_EDGES, D), dtype=jnp.float32)
    return {"input_tensor": input_tensor, "index_tensor": index_tensor, "src_tensor": src_tensor}

def reference(input_tensor, index_tensor, src_tensor):
    # torch.scatter_add(input, 0, index, src): out[index[i,j], j] += src[i,j]
    cols = jnp.broadcast_to(jnp.arange(src_tensor.shape[1], dtype=index_tensor.dtype), index_tensor.shape)
    result = input_tensor.at[index_tensor, cols].add(src_tensor)
    return result

if __name__ == "__main__":
    import jax
    _d = setup_inputs()
    print(jax.jit(kernel)(*tuple(_d.values())))

</pallas_src>

<mosaic_0001>
#map = affine_map<(d0, d1) -> (0, 0)>
#map1 = affine_map<(d0, d1) -> (0, 0, 0)>
module attributes {stable_mosaic.version = 14 : i64} {
  func.func @_sc_scatter_partials(%arg0: i32, %arg1: i32, %arg2: memref<320000x128xi32, #tpu.memory_space<hbm>>, %arg3: memref<320000x128xf32, #tpu.memory_space<hbm>>, %arg4: memref<10000x128xf32, #tpu.memory_space<hbm>>, %arg5: memref<2x10000x128xf32, #tpu.memory_space<hbm>>, %arg6: memref<10000x8xf32, #tpu.memory_space<vmem>>, %arg7: memref<4x500x8xi32, #tpu.memory_space<vmem>>, %arg8: memref<4x500x8xf32, #tpu.memory_space<vmem>>, %arg9: memref<4x!tpu.dma_semaphore, #tpu.memory_space<semaphore_mem>>, %arg10: memref<4x!tpu.dma_semaphore, #tpu.memory_space<semaphore_mem>>) attributes {dimension_semantics = [#tpu.dimension_semantics<core_parallel>, #tpu.dimension_semantics<subcore_parallel>], iteration_bounds = array<i64: 2, 16>, scalar_prefetch = 0 : i64, scratch_operands = 5 : i64, tpu.core_type = #tpu.core_type<sc_vector_subcore>, window_params = [{transform_indices = #map}, {transform_indices = #map}, {transform_indices = #map}, {transform_indices = #map1}]} {
    %mul3A = arith.constant 8 : i32
    %mul3A_0 = arith.muli %arg1, %mul3A : i32
    %mul3A_1 = arith.constant 160000 : i32
    %mul3A_2 = arith.muli %arg0, %mul3A_1 : i32
    %iota3A = tpu.iota {dimensions = array<i32: 0>} : vector<16xi32>
    %and3A = arith.constant 7 : i32
    %and3A_3 = vector.broadcast %and3A : i32 to vector<16xi32>
    %and3A_4 = arith.andi %iota3A, %and3A_3 : vector<16xi32>
    %shift_right_arithmetic3A = arith.constant 3 : i32
    %shift_right_arithmetic3A_5 = vector.broadcast %shift_right_arithmetic3A : i32 to vector<16xi32>
    %shift_right_arithmetic3A_6 = arith.shrsi %iota3A, %shift_right_arithmetic3A_5 : vector<16xi32>
    %broadcast_in_dim3A = arith.constant 0.000000e+00 : f32
    %broadcast_in_dim3A_7 = vector.broadcast %broadcast_in_dim3A : f32 to vector<16xf32>
    %add3A = arith.constant 0 : i32
    %add3A_8 = arith.addi %mul3A_2, %add3A : i32
    %dma_start3A = arith.constant 0 : i32
    %dma_start3A_9 = arith.constant 0 : i32
    %dma_start3A_10 = arith.constant 0 : i32
    %dma_start3A_11 = arith.constant 0 : i32
    %dma_start3A_12 = tpu.memref_slice %arg7[%dma_start3A, %dma_start3A_10, %dma_start3A_11] : memref<4x500x8xi32, #tpu.memory_space<vmem>> -> memref<1x500x8xi32, #tpu.memory_space<vmem>>
    %dma_start3A_13 = tpu.memref_squeeze %dma_start3A_12 : memref<1x500x8xi32, #tpu.memory_space<vmem>> -> memref<500x8xi32, #tpu.memory_space<vmem>>
    %dma_start3A_14 = tpu.memref_slice %arg2[%add3A_8, %mul3A_0] : memref<320000x128xi32, #tpu.memory_space<hbm>> -> memref<500x8xi32, #tpu.memory_space<hbm>>
    %dma_start3A_15 = tpu.memref_slice %arg9[%dma_start3A_9] : memref<4x!tpu.dma_semaphore, #tpu.memory_space<semaphore_mem>> -> memref<1x!tpu.dma_semaphore, #tpu.memory_space<semaphore_mem>>
    %dma_start3A_16 = tpu.memref_squeeze %dma_start3A_15 : memref<1x!tpu.dma_semaphore, #tpu.memory_space<semaphore_mem>> -> memref<!tpu.dma_semaphore, #tpu.memory_space<semaphore_mem>>
    %dma_start3A_17 = arith.constant 0 : i32
    %dma_start3A_18 = arith.constant 0 : i32
    %dma_start3A_19 = tpu.memref_slice %arg7[%dma_start3A, %dma_start3A_17, %dma_start3A_18] : memref<4x500x8xi32, #tpu.memory_space<vmem>> -> memref<1x500x8xi32, #tpu.memory_space<vmem>>
    %dma_start3A_20 = tpu.memref_squeeze %dma_start3A_19 : memref<1x500x8xi32, #tpu.memory_space<vmem>> -> memref<500x8xi32, #tpu.memory_space<vmem>>
    %dma_start3A_21 = tpu.memref_slice %arg2[%add3A_8, %mul3A_0] : memref<320000x128xi32, #tpu.memory_space<hbm>> -> memref<500x8xi32, #tpu.memory_space<hbm>>
    tpu.enqueue_dma source(%dma_start3A_21 : memref<500x8xi32, #tpu.memory_space<hbm>>) target(%dma_start3A_20 : memref<500x8xi32, #tpu.memory_space<vmem>>) target_semaphore(%dma_start3A_16 : memref<!tpu.dma_semaphore, #tpu.memory_space<semaphore_mem>>)
    %dma_start3A_22 = arith.constant 0 : i32
    %dma_start3A_23 = arith.constant 0 : i32
    %dma_start3A_24 = arith.constant 0 : i32
    %dma_start3A_25 = arith.constant 0 : i32
    %dma_start3A_26 = tpu.memref_slice %arg8[%dma_start3A_22, %dma_start3A_24, %dma_start3A_25] : memref<4x500x8xf32, #tpu.memory_space<vmem>> -> memref<1x500x8xf32, #tpu.memory_space<vmem>>
    %dma_start3A_27 = tpu.memref_squeeze %dma_start3A_26 : memref<1x500x8xf32, #tpu.memory_space<vmem>> -> memref<500x8xf32, #tpu.memory_space<vmem>>
    %dma_start3A_28 = tpu.memref_slice %arg3[%add3A_8, %mul3A_0] : memref<320000x128xf32, #tpu.memory_space<hbm>> -> memref<500x8xf32, #tpu.memory_space<hbm>>
    %dma_start3A_29 = tpu.memref_slice %arg10[%dma_start3A_23] : memref<4x!tpu.dma_semaphore, #tpu.memory_space<semaphore_mem>> -> memref<1x!tpu.dma_semaphore, #tpu.memory_space<semaphore_mem>>
    %dma_start3A_30 = tpu.memref_squeeze %dma_start3A_29 : memref<1x!tpu.dma_semaphore, #tpu.memory_space<semaphore_mem>> -> memref<!tpu.dma_semaphore, #tpu.memory_space<semaphore_mem>>
    %dma_start3A_31 = arith.constant 0 : i32
    %dma_start3A_32 = arith.constant 0 : i32
    %dma_start3A_33 = tpu.memref_slice %arg8[%dma_start3A_22, %dma_start3A_31, %dma_start3A_32] : memref<4x500x8xf32, #tpu.memory_space<vmem>> -> memref<1x500x8xf32, #tpu.memory_space<vmem>>
    %dma_start3A_34 = tpu.memref_squeeze %dma_start3A_33 : memref<1x500x8xf32, #tpu.memory_space<vmem>> -> memref<500x8xf32, #tpu.memory_space<vmem>>
    %dma_start3A_35 = tpu.memref_slice %arg3[%add3A_8, %mul3A_0] : memref<320000x128xf32, #tpu.memory_space<hbm>> -> memref<500x8xf32, #tpu.memory_space<hbm>>
    tpu.enqueue_dma source(%dma_start3A_35 : memref<500x8xf32, #tpu.memory_space<hbm>>) target(%dma_start3A_34 : memref<500x8xf32, #tpu.memory_space<vmem>>) target_semaphore(%dma_start3A_30 : memref<!tpu.dma_semaphore, #tpu.memory_space<semaphore_mem>>)
    %add3A_36 = arith.constant 500 : i32
    %add3A_37 = arith.addi %mul3A_2, %add3A_36 : i32
    %dma_start3A_38 = arith.constant 1 : i32
    %dma_start3A_39 = arith.constant 1 : i32
    %dma_start3A_40 = arith.constant 0 : i32
    %dma_start3A_41 = arith.constant 0 : i32
    %dma_start3A_42 = tpu.memref_slice %arg7[%dma_start3A_38, %dma_start3A_40, %dma_start3A_41] : memref<4x500x8xi32, #tpu.memory_space<vmem>> -> memref<1x500x8xi32, #tpu.memory_space<vmem>>
    %dma_start3A_43 = tpu.memref_squeeze %dma_start3A_42 : memref<1x500x8xi32, #tpu.memory_space<vmem>> -> memref<500x8xi32, #tpu.memory_space<vmem>>
    %dma_start3A_44 = tpu.memref_slice %arg2[%add3A_37, %mul3A_0] : memref<320000x128xi32, #tpu.memory_space<hbm>> -> memref<500x8xi32, #tpu.memory_space<hbm>>
    %dma_start3A_45 = tpu.memref_slice %arg9[%dma_start3A_39] : memref<4x!tpu.dma_semaphore, #tpu.memory_space<semaphore_mem>> -> memref<1x!tpu.dma_semaphore, #tpu.memory_space<semaphore_mem>>
    %dma_start3A_46 = tpu.memref_squeeze %dma_start3A_45 : memref<1x!tpu.dma_semaphore, #tpu.memory_space<semaphore_mem>> -> memref<!tpu.dma_semaphore, #tpu.memory_space<semaphore_mem>>
    %dma_start3A_47 = arith.constant 0 : i32
    %dma_start3A_48 = arith.constant 0 : i32
    %dma_start3A_49 = tpu.memref_slice %arg7[%dma_start3A_38, %dma_start3A_47, %dma_start3A_48] : memref<4x500x8xi32, #tpu.memory_space<vmem>> -> memref<1x500x8xi32, #tpu.memory_space<vmem>>
    %dma_start3A_50 = tpu.memref_squeeze %dma_start3A_49 : memref<1x500x8xi32, #tpu.memory_space<vmem>> -> memref<500x8xi32, #tpu.memory_space<vmem>>
    %dma_start3A_51 = tpu.memref_slice %arg2[%add3A_37, %mul3A_0] : memref<320000x128xi32, #tpu.memory_space<hbm>> -> memref<500x8xi32, #tpu.memory_space<hbm>>
    tpu.enqueue_dma source(%dma_start3A_51 : memref<500x8xi32, #tpu.memory_space<hbm>>) target(%dma_start3A_50 : memref<500x8xi32, #tpu.memory_space<vmem>>) target_semaphore(%dma_start3A_46 : memref<!tpu.dma_semaphore, #tpu.memory_space<semaphore_mem>>)
    %dma_start3A_52 = arith.constant 1 : i32
    %dma_start3A_53 = arith.constant 1 : i32
    %dma_start3A_54 = arith.constant 0 : i32
    %dma_start3A_55 = arith.constant 0 : i32
    %dma_start3A_56 = tpu.memref_slice %arg8[%dma_start3A_52, %dma_start3A_54, %dma_start3A_55] : memref<4x500x8xf32, #tpu.memory_space<vmem>> -> memref<1x500x8xf32, #tpu.memory_space<vmem>>
    %dma_start3A_57 = tpu.memref_squeeze %dma_start3A_56 : memref<1x500x8xf32, #tpu.memory_space<vmem>> -> memref<500x8xf32, #tpu.memory_space<vmem>>
    %dma_start3A_58 = tpu.memref_slice %arg3[%add3A_37, %mul3A_0] : memref<320000x128xf32, #tpu.memory_space<hbm>> -> memref<500x8xf32, #tpu.memory_space<hbm>>
    %dma_start3A_59 = tpu.memref_slice %arg10[%dma_start3A_53] : memref<4x!tpu.dma_semaphore, #tpu.memory_space<semaphore_mem>> -> memref<1x!tpu.dma_semaphore, #tpu.memory_space<semaphore_mem>>
    %dma_start3A_60 = tpu.memref_squeeze %dma_start3A_59 : memref<1x!tpu.dma_semaphore, #tpu.memory_space<semaphore_mem>> -> memref<!tpu.dma_semaphore, #tpu.memory_space<semaphore_mem>>
    %dma_start3A_61 = arith.constant 0 : i32
    %dma_start3A_62 = arith.constant 0 : i32
    %dma_start3A_63 = tpu.memref_slice %arg8[%dma_start3A_52, %dma_start3A_61, %dma_start3A_62] : memref<4x500x8xf32, #tpu.memory_space<vmem>> -> memref<1x500x8xf32, #tpu.memory_space<vmem>>
    %dma_start3A_64 = tpu.memref_squeeze %dma_start3A_63 : memref<1x500x8xf32, #tpu.memory_space<vmem>> -> memref<500x8xf32, #tpu.memory_space<vmem>>
    %dma_start3A_65 = tpu.memref_slice %arg3[%add3A_37, %mul3A_0] : memref<320000x128xf32, #tpu.memory_space<hbm>> -> memref<500x8xf32, #tpu.memory_space<hbm>>
    tpu.enqueue_dma source(%dma_start3A_65 : memref<500x8xf32, #tpu.memory_space<hbm>>) target(%dma_start3A_64 : memref<500x8xf32, #tpu.memory_space<vmem>>) target_semaphore(%dma_start3A_60 : memref<!tpu.dma_semaphore, #tpu.memory_space<semaphore_mem>>)
    %add3A_66 = arith.constant 1000 : i32
    %add3A_67 = arith.addi %mul3A_2, %add3A_66 : i32
    %dma_start3A_68 = arith.constant 2 : i32
    %dma_start3A_69 = arith.constant 2 : i32
    %dma_start3A_70 = arith.constant 0 : i32
    %dma_start3A_71 = arith.constant 0 : i32
    %dma_start3A_72 = tpu.memref_slice %arg7[%dma_start3A_68, %dma_start3A_70, %dma_start3A_71] : memref<4x500x8xi32, #tpu.memory_space<vmem>> -> memref<1x500x8xi32, #tpu.memory_space<vmem>>
    %dma_start3A_73 = tpu.memref_squeeze %dma_start3A_72 : memref<1x500x8xi32, #tpu.memory_space<vmem>> -> memref<500x8xi32, #tpu.memory_space<vmem>>
    %dma_start3A_74 = tpu.memref_slice %arg2[%add3A_67, %mul3A_0] : memref<320000x128xi32, #tpu.memory_space<hbm>> -> memref<500x8xi32, #tpu.memory_space<hbm>>
    %dma_start3A_75 = tpu.memref_slice %arg9[%dma_start3A_69] : memref<4x!tpu.dma_semaphore, #tpu.memory_space<semaphore_mem>> -> memref<1x!tpu.dma_semaphore, #tpu.memory_space<semaphore_mem>>
    %dma_start3A_76 = tpu.memref_squeeze %dma_start3A_75 : memref<1x!tpu.dma_semaphore, #tpu.memory_space<semaphore_mem>> -> memref<!tpu.dma_semaphore, #tpu.memory_space<semaphore_mem>>
    %dma_start3A_77 = arith.constant 0 : i32
    %dma_start3A_78 = arith.constant 0 : i32
    %dma_start3A_79 = tpu.memref_slice %arg7[%dma_start3A_68, %dma_start3A_77, %dma_start3A_78] : memref<4x500x8xi32, #tpu.memory_space<vmem>> -> memref<1x500x8xi32, #tpu.memory_space<vmem>>
    %dma_start3A_80 = tpu.memref_squeeze %dma_start3A_79 : memref<1x500x8xi32, #tpu.memory_space<vmem>> -> memref<500x8xi32, #tpu.memory_space<vmem>>
    %dma_start3A_81 = tpu.memref_slice %arg2[%add3A_67, %mul3A_0] : memref<320000x128xi32, #tpu.memory_space<hbm>> -> memref<500x8xi32, #tpu.memory_space<hbm>>
    tpu.enqueue_dma source(%dma_start3A_81 : memref<500x8xi32, #tpu.memory_space<hbm>>) target(%dma_start3A_80 : memref<500x8xi32, #tpu.memory_space<vmem>>) target_semaphore(%dma_start3A_76 : memref<!tpu.dma_semaphore, #tpu.memory_space<semaphore_mem>>)
    %dma_start3A_82 = arith.constant 2 : i32
    %dma_start3A_83 = arith.constant 2 : i32
    %dma_start3A_84 = arith.constant 0 : i32
    %dma_start3A_85 = arith.constant 0 : i32
    %dma_start3A_86 = tpu.memref_slice %arg8[%dma_start3A_82, %dma_start3A_84, %dma_start3A_85] : memref<4x500x8xf32, #tpu.memory_space<vmem>> -> memref<1x500x8xf32, #tpu.memory_space<vmem>>
    %dma_start3A_87 = tpu.memref_squeeze %dma_start3A_86 : memref<1x500x8xf32, #tpu.memory_space<vmem>> -> memref<500x8xf32, #tpu.memory_space<vmem>>
    %dma_start3A_88 = tpu.memref_slice %arg3[%add3A_67, %mul3A_0] : memref<320000x128xf32, #tpu.memory_space<hbm>> -> memref<500x8xf32, #tpu.memory_space<hbm>>
    %dma_start3A_89 = tpu.memref_slice %arg10[%dma_start3A_83] : memref<4x!tpu.dma_semaphore, #tpu.memory_space<semaphore_mem>> -> memref<1x!tpu.dma_semaphore, #tpu.memory_space<semaphore_mem>>
    %dma_start3A_90 = tpu.memref_squeeze %dma_start3A_89 : memref<1x!tpu.dma_semaphore, #tpu.memory_space<semaphore_mem>> -> memref<!tpu.dma_semaphore, #tpu.memory_space<semaphore_mem>>
    %dma_start3A_91 = arith.constant 0 : i32
    %dma_start3A_92 = arith.constant 0 : i32
    %dma_start3A_93 = tpu.memref_slice %arg8[%dma_start3A_82, %dma_start3A_91, %dma_start3A_92] : memref<4x500x8xf32, #tpu.memory_space<vmem>> -> memref<1x500x8xf32, #tpu.memory_space<vmem>>
    %dma_start3A_94 = tpu.memref_squeeze %dma_start3A_93 : memref<1x500x8xf32, #tpu.memory_space<vmem>> -> memref<500x8xf32, #tpu.memory_space<vmem>>
    %dma_start3A_95 = tpu.memref_slice %arg3[%add3A_67, %mul3A_0] : memref<320000x128xf32, #tpu.memory_space<hbm>> -> memref<500x8xf32, #tpu.memory_space<hbm>>
    tpu.enqueue_dma source(%dma_start3A_95 : memref<500x8xf32, #tpu.memory_space<hbm>>) target(%dma_start3A_94 : memref<500x8xf32, #tpu.memory_space<vmem>>) target_semaphore(%dma_start3A_90 : memref<!tpu.dma_semaphore, #tpu.memory_space<semaphore_mem>>)
    %add3A_96 = arith.constant 1500 : i32
    %add3A_97 = arith.addi %mul3A_2, %add3A_96 : i32
    %dma_start3A_98 = arith.constant 3 : i32
    %dma_start3A_99 = arith.constant 3 : i32
    %dma_start3A_100 = arith.constant 0 : i32
    %dma_start3A_101 = arith.constant 0 : i32
    %dma_start3A_102 = tpu.memref_slice %arg7[%dma_start3A_98, %dma_start3A_100, %dma_start3A_101] : memref<4x500x8xi32, #tpu.memory_space<vmem>> -> memref<1x500x8xi32, #tpu.memory_space<vmem>>
    %dma_start3A_103 = tpu.memref_squeeze %dma_start3A_102 : memref<1x500x8xi32, #tpu.memory_space<vmem>> -> memref<500x8xi32, #tpu.memory_space<vmem>>
    %dma_start3A_104 = tpu.memref_slice %arg2[%add3A_97, %mul3A_0] : memref<320000x128xi32, #tpu.memory_space<hbm>> -> memref<500x8xi32, #tpu.memory_space<hbm>>
    %dma_start3A_105 = tpu.memref_slice %arg9[%dma_start3A_99] : memref<4x!tpu.dma_semaphore, #tpu.memory_space<semaphore_mem>> -> memref<1x!tpu.dma_semaphore, #tpu.memory_space<semaphore_mem>>
    %dma_start3A_106 = tpu.memref_squeeze %dma_start3A_105 : memref<1x!tpu.dma_semaphore, #tpu.memory_space<semaphore_mem>> -> memref<!tpu.dma_semaphore, #tpu.memory_space<semaphore_mem>>
    %dma_start3A_107 = arith.constant 0 : i32
    %dma_start3A_108 = arith.constant 0 : i32
    %dma_start3A_109 = tpu.memref_slice %arg7[%dma_start3A_98, %dma_start3A_107, %dma_start3A_108] : memref<4x500x8xi32, #tpu.memory_space<vmem>> -> memref<1x500x8xi32, #tpu.memory_space<vmem>>
    %dma_start3A_110 = tpu.memref_squeeze %dma_start3A_109 : memref<1x500x8xi32, #tpu.memory_space<vmem>> -> memref<500x8xi32, #tpu.memory_space<vmem>>
    %dma_start3A_111 = tpu.memref_slice %arg2[%add3A_97, %mul3A_0] : memref<320000x128xi32, #tpu.memory_space<hbm>> -> memref<500x8xi32, #tpu.memory_space<hbm>>
    tpu.enqueue_dma source(%dma_start3A_111 : memref<500x8xi32, #tpu.memory_space<hbm>>) target(%dma_start3A_110 : memref<500x8xi32, #tpu.memory_space<vmem>>) target_semaphore(%dma_start3A_106 : memref<!tpu.dma_semaphore, #tpu.memory_space<semaphore_mem>>)
    %dma_start3A_112 = arith.constant 3 : i32
    %dma_start3A_113 = arith.constant 3 : i32
    %dma_start3A_114 = arith.constant 0 : i32
    %dma_start3A_115 = arith.constant 0 : i32
    %dma_start3A_116 = tpu.memref_slice %arg8[%dma_start3A_112, %dma_start3A_114, %dma_start3A_115] : memref<4x500x8xf32, #tpu.memory_space<vmem>> -> memref<1x500x8xf32, #tpu.memory_space<vmem>>
    %dma_start3A_117 = tpu.memref_squeeze %dma_start3A_116 : memref<1x500x8xf32, #tpu.memory_space<vmem>> -> memref<500x8xf32, #tpu.memory_space<vmem>>
    %dma_start3A_118 = tpu.memref_slice %arg3[%add3A_97, %mul3A_0] : memref<320000x128xf32, #tpu.memory_space<hbm>> -> memref<500x8xf32, #tpu.memory_space<hbm>>
    %dma_start3A_119 = tpu.memref_slice %arg10[%dma_start3A_113] : memref<4x!tpu.dma_semaphore, #tpu.memory_space<semaphore_mem>> -> memref<1x!tpu.dma_semaphore, #tpu.memory_space<semaphore_mem>>
    %dma_start3A_120 = tpu.memref_squeeze %dma_start3A_119 : memref<1x!tpu.dma_semaphore, #tpu.memory_space<semaphore_mem>> -> memref<!tpu.dma_semaphore, #tpu.memory_space<semaphore_mem>>
    %dma_start3A_121 = arith.constant 0 : i32
    %dma_start3A_122 = arith.constant 0 : i32
    %dma_start3A_123 = tpu.memref_slice %arg8[%dma_start3A_112, %dma_start3A_121, %dma_start3A_122] : memref<4x500x8xf32, #tpu.memory_space<vmem>> -> memref<1x500x8xf32, #tpu.memory_space<vmem>>
    %dma_start3A_124 = tpu.memref_squeeze %dma_start3A_123 : memref<1x500x8xf32, #tpu.memory_space<vmem>> -> memref<500x8xf32, #tpu.memory_space<vmem>>
    %dma_start3A_125 = tpu.memref_slice %arg3[%add3A_97, %mul3A_0] : memref<320000x128xf32, #tpu.memory_space<hbm>> -> memref<500x8xf32, #tpu.memory_space<hbm>>
    tpu.enqueue_dma source(%dma_start3A_125 : memref<500x8xf32, #tpu.memory_space<hbm>>) target(%dma_start3A_124 : memref<500x8xf32, #tpu.memory_space<vmem>>) target_semaphore(%dma_start3A_120 : memref<!tpu.dma_semaphore, #tpu.memory_space<semaphore_mem>>)
    %eq3A = arith.constant 0 : i32
    %eq3A_126 = arith.cmpi eq, %arg0, %eq3A : i32
    %convert_element_type3A = arith.extui %eq3A_126 : i1 to i32
    %cond3A = arith.constant 0 : i32
    %cond3A_127 = arith.cmpi ne, %convert_element_type3A, %cond3A : i32
    scf.if %cond3A_127 {
      "tpu.region"() ({
        %run_scoped3A = tpu.sem_alloc : memref<!tpu.dma_semaphore, #tpu.memory_space<semaphore_mem>>
        %dma_start3A_138 = arith.constant 0 : i32
        %dma_start3A_139 = tpu.memref_slice %arg4[%dma_start3A_138, %mul3A_0] : memref<10000x128xf32, #tpu.memory_space<hbm>> -> memref<10000x8xf32, #tpu.memory_space<hbm>>
        %dma_start3A_140 = arith.constant 0 : i32
        %dma_start3A_141 = tpu.memref_slice %arg4[%dma_start3A_140, %mul3A_0] : memref<10000x128xf32, #tpu.memory_space<hbm>> -> memref<10000x8xf32, #tpu.memory_space<hbm>>
        tpu.enqueue_dma source(%dma_start3A_141 : memref<10000x8xf32, #tpu.memory_space<hbm>>) target(%arg6 : memref<10000x8xf32, #tpu.memory_space<vmem>>) target_semaphore(%run_scoped3A : memref<!tpu.dma_semaphore, #tpu.memory_space<semaphore_mem>>)
        %dma_wait3A = arith.constant 0 : i32
        %dma_wait3A_142 = tpu.memref_slice %arg4[%dma_wait3A, %mul3A_0] : memref<10000x128xf32, #tpu.memory_space<hbm>> -> memref<10000x8xf32, #tpu.memory_space<hbm>>
        %dma_wait3A_143 = arith.constant 0 : i32
        %dma_wait3A_144 = tpu.memref_slice %arg4[%dma_wait3A_143, %mul3A_0] : memref<10000x128xf32, #tpu.memory_space<hbm>> -> memref<10000x8xf32, #tpu.memory_space<hbm>>
        tpu.wait_dma2 semaphore(%run_scoped3A : memref<!tpu.dma_semaphore, #tpu.memory_space<semaphore_mem>>) src(%dma_wait3A_144 : memref<10000x8xf32, #tpu.memory_space<hbm>>) dst(%arg6 : memref<10000x8xf32, #tpu.memory_space<vmem>>)
        tpu.yield
      }) : () -> ()
    } else {
    }
    %ne3A = arith.constant 0 : i32
    %ne3A_128 = arith.cmpi ne, %arg0, %ne3A : i32
    %convert_element_type3A_129 = arith.extui %ne3A_128 : i1 to i32
    %cond3A_130 = arith.constant 0 : i32
    %cond3A_131 = arith.cmpi ne, %convert_element_type3A_129, %cond3A_130 : i32
    scf.if %cond3A_131 {
      %scan3A_138 = arith.constant 0 : i32
      %scan3A_139 = arith.constant 0 : i32
      %scan3A_140 = arith.constant 5000 : i32
      %scan3A_141 = arith.addi %scan3A_139, %scan3A_140 : i32
      %scan3A_142 = arith.constant 1 : i32
      %scan3A_143 = scf.for %scan3A_145 = %scan3A_139 to %scan3A_141 step %scan3A_142 iter_args(%scan3A_146 = %scan3A_138) -> (i32)  : i32 {
        %mul3A_147 = arith.constant 2 : i32
        %mul3A_148 = arith.muli %mul3A_147, %scan3A_145 : i32
        %add3A_149 = vector.broadcast %mul3A_148 : i32 to vector<16xi32>
        %add3A_150 = arith.addi %shift_right_arithmetic3A_6, %add3A_149 : vector<16xi32>
        tpu.vector_store_idx %arg6[%add3A_150, %and3A_4], %broadcast_in_dim3A_7 : memref<10000x8xf32, #tpu.memory_space<vmem>>[vector<16xi32>, vector<16xi32>], vector<16xf32>,
        %scan3A_151 = arith.constant 0 : i32
        scf.yield %scan3A_151 : i32
      }
      %scan3A_144 = arith.constant 5000 : i32
    } else {
    }
    %scan3A = arith.constant 0 : i32
    %scan3A_132 = arith.constant 0 : i32
    %scan3A_133 = arith.constant 80 : i32
    %scan3A_134 = arith.addi %scan3A_132, %scan3A_133 : i32
    %scan3A_135 = arith.constant 1 : i32
    %scan3A_136 = scf.for %scan3A_138 = %scan3A_132 to %scan3A_134 step %scan3A_135 iter_args(%scan3A_139 = %scan3A) -> (i32)  : i32 {
      %mul3A_140 = arith.constant 4 : i32
      %mul3A_141 = arith.muli %scan3A_138, %mul3A_140 : i32
      %add3A_142 = arith.constant 0 : i32
      %add3A_143 = arith.addi %mul3A_141, %add3A_142 : i32
      %mul3A_144 = arith.constant 500 : i32
      %mul3A_145 = arith.muli %add3A_143, %mul3A_144 : i32
      %add3A_146 = arith.addi %mul3A_2, %mul3A_145 : i32
      %dma_wait3A = arith.constant 0 : i32
      %dma_wait3A_147 = arith.constant 0 : i32
      %dma_wait3A_148 = arith.constant 0 : i32
      %dma_wait3A_149 = arith.constant 0 : i32
      %dma_wait3A_150 = tpu.memref_slice %arg7[%dma_wait3A, %dma_wait3A_148, %dma_wait3A_149] : memref<4x500x8xi32, #tpu.memory_space<vmem>> -> memref<1x500x8xi32, #tpu.memory_space<vmem>>
      %dma_wait3A_151 = tpu.memref_squeeze %dma_wait3A_150 : memref<1x500x8xi32, #tpu.memory_space<vmem>> -> memref<500x8xi32, #tpu.memory_space<vmem>>
      %dma_wait3A_152 = tpu.memref_slice %arg2[%add3A_146, %mul3A_0] : memref<320000x128xi32, #tpu.memory_space<hbm>> -> memref<500x8xi32, #tpu.memory_space<hbm>>
      %dma_wait3A_153 = tpu.memref_slice %arg9[%dma_wait3A_147] : memref<4x!tpu.dma_semaphore, #tpu.memory_space<semaphore_mem>> -> memref<1x!tpu.dma_semaphore, #tpu.memory_space<semaphore_mem>>
      %dma_wait3A_154 = tpu.memref_squeeze %dma_wait3A_153 : memref<1x!tpu.dma_semaphore, #tpu.memory_space<semaphore_mem>> -> memref<!tpu.dma_semaphore, #tpu.memory_space<semaphore_mem>>
      %dma_wait3A_155 = arith.constant 0 : i32
      %dma_wait3A_156 = arith.constant 0 : i32
      %dma_wait3A_157 = tpu.memref_slice %arg7[%dma_wait3A, %dma_wait3A_155, %dma_wait3A_156] : memref<4x500x8xi32, #tpu.memory_space<vmem>> -> memref<1x500x8xi32, #tpu.memory_space<vmem>>
      %dma_wait3A_158 = tpu.memref_squeeze %dma_wait3A_157 : memref<1x500x8xi32, #tpu.memory_space<vmem>> -> memref<500x8xi32, #tpu.memory_space<vmem>>
      %dma_wait3A_159 = tpu.memref_slice %arg2[%add3A_146, %mul3A_0] : memref<320000x128xi32, #tpu.memory_space<hbm>> -> memref<500x8xi32, #tpu.memory_space<hbm>>
      tpu.wait_dma2 semaphore(%dma_wait3A_154 : memref<!tpu.dma_semaphore, #tpu.memory_space<semaphore_mem>>) src(%dma_wait3A_159 : memref<500x8xi32, #tpu.memory_space<hbm>>) dst(%dma_wait3A_158 : memref<500x8xi32, #tpu.memory_space<vmem>>)
      %dma_wait3A_160 = arith.constant 0 : i32
      %dma_wait3A_161 = arith.constant 0 : i32
      %dma_wait3A_162 = arith.constant 0 : i32
      %dma_wait3A_163 = arith.constant 0 : i32
      %dma_wait3A_164 = tpu.memref_slice %arg8[%dma_wait3A_160, %dma_wait3A_162, %dma_wait3A_163] : memref<4x500x8xf32, #tpu.memory_space<vmem>> -> memref<1x500x8xf32, #tpu.memory_space<vmem>>
      %dma_wait3A_165 = tpu.memref_squeeze %dma_wait3A_164 : memref<1x500x8xf32, #tpu.memory_space<vmem>> -> memref<500x8xf32, #tpu.memory_space<vmem>>
      %dma_wait3A_166 = tpu.memref_slice %arg3[%add3A_146, %mul3A_0] : memref<320000x128xf32, #tpu.memory_space<hbm>> -> memref<500x8xf32, #tpu.memory_space<hbm>>
      %dma_wait3A_167 = tpu.memref_slice %arg10[%dma_wait3A_161] : memref<4x!tpu.dma_semaphore, #tpu.memory_space<semaphore_mem>> -> memref<1x!tpu.dma_semaphore, #tpu.memory_space<semaphore_mem>>
      %dma_wait3A_168 = tpu.memref_squeeze %dma_wait3A_167 : memref<1x!tpu.dma_semaphore, #tpu.memory_space<semaphore_mem>> -> memref<!tpu.dma_semaphore, #tpu.memory_space<semaphore_mem>>
      %dma_wait3A_169 = arith.constant 0 : i32
      %dma_wait3A_170 = arith.constant 0 : i32
      %dma_wait3A_171 = tpu.memref_slice %arg8[%dma_wait3A_160, %dma_wait3A_169, %dma_wait3A_170] : memref<4x500x8xf32, #tpu.memory_space<vmem>> -> memref<1x500x8xf32, #tpu.memory_space<vmem>>
      %dma_wait3A_172 = tpu.memref_squeeze %dma_wait3A_171 : memref<1x500x8xf32, #tpu.memory_space<vmem>> -> memref<500x8xf32, #tpu.memory_space<vmem>>
      %dma_wait3A_173 = tpu.memref_slice %arg3[%add3A_146, %mul3A_0] : memref<320000x128xf32, #tpu.memory_space<hbm>> -> memref<500x8xf32, #tpu.memory_space<hbm>>
      tpu.wait_dma2 semaphore(%dma_wait3A_168 : memref<!tpu.dma_semaphore, #tpu.memory_space<semaphore_mem>>) src(%dma_wait3A_173 : memref<500x8xf32, #tpu.memory_space<hbm>>) dst(%dma_wait3A_172 : memref<500x8xf32, #tpu.memory_space<vmem>>)
      %parallel_loop3A = arith.constant 0 : i32
      %parallel_loop3A_174 = arith.constant 250 : i32
      %parallel_loop3A_175 = arith.constant 1 : i32
      %parallel_loop3A_176 = arith.constant 0 : i32
      %parallel_loop3A_177 = arith.constant 0 : i32
      scf.for %parallel_loop3A_326 = %parallel_loop3A to %parallel_loop3A_174 step %parallel_loop3A_175  : i32 {
        %parallel_loop3A_327 = arith.constant 2 : i32
        %parallel_loop3A_328 = arith.muli %parallel_loop3A_327, %parallel_loop3A_326 : i32
        %parallel_loop3A_329 = vector.broadcast %parallel_loop3A_328 : i32 to vector<16xi32>
        %parallel_loop3A_330 = arith.addi %shift_right_arithmetic3A_6, %parallel_loop3A_329 : vector<16xi32>
        %parallel_loop3A_331 = arith.constant 0 : i32
        %parallel_loop3A_332 = arith.constant 0 : i32
        %parallel_loop3A_333 = tpu.memref_slice %arg7[%parallel_loop3A_176, %parallel_loop3A_331, %parallel_loop3A_332] : memref<4x500x8xi32, #tpu.memory_space<vmem>> -> memref<1x500x8xi32, #tpu.memory_space<vmem>>
        %parallel_loop3A_334 = tpu.memref_squeeze %parallel_loop3A_333 : memref<1x500x8xi32, #tpu.memory_space<vmem>> -> memref<500x8xi32, #tpu.memory_space<vmem>>
        %parallel_loop3A_335 = tpu.vector_load_idx %parallel_loop3A_334[%parallel_loop3A_330, %and3A_4] : memref<500x8xi32, #tpu.memory_space<vmem>>[vector<16xi32>, vector<16xi32>], vector<16xi32>,
        %parallel_loop3A_336 = arith.constant 0 : i32
        %parallel_loop3A_337 = arith.constant 0 : i32
        %parallel_loop3A_338 = tpu.memref_slice %arg8[%parallel_loop3A_177, %parallel_loop3A_336, %parallel_loop3A_337] : memref<4x500x8xf32, #tpu.memory_space<vmem>> -> memref<1x500x8xf32, #tpu.memory_space<vmem>>
        %parallel_loop3A_339 = tpu.memref_squeeze %parallel_loop3A_338 : memref<1x500x8xf32, #tpu.memory_space<vmem>> -> memref<500x8xf32, #tpu.memory_space<vmem>>
        %parallel_loop3A_340 = tpu.vector_load_idx %parallel_loop3A_339[%parallel_loop3A_330, %and3A_4] : memref<500x8xf32, #tpu.memory_space<vmem>>[vector<16xi32>, vector<16xi32>], vector<16xf32>,
        tpu.vector_store_idx %arg6[%parallel_loop3A_335, %and3A_4], %parallel_loop3A_340 {add = true} : memref<10000x8xf32, #tpu.memory_space<vmem>>[vector<16xi32>, vector<16xi32>], vector<16xf32>,
      } {sc.loop_unroll_factor = 8 : i64, sc.parallel_access}
      %add3A_178 = arith.constant 4 : i32
      %add3A_179 = arith.addi %add3A_143, %add3A_178 : i32
      %lt3A = arith.constant 320 : i32
      %lt3A_180 = arith.cmpi slt, %add3A_179, %lt3A : i32
      %convert_element_type3A_181 = arith.extui %lt3A_180 : i1 to i32
      %cond3A_182 = arith.constant 0 : i32
      %cond3A_183 = arith.cmpi ne, %convert_element_type3A_181, %cond3A_182 : i32
      scf.if %cond3A_183 {
        %add3A_326 = arith.constant 4 : i32
        %add3A_327 = arith.addi %add3A_143, %add3A_326 : i32
        %mul3A_328 = arith.constant 500 : i32
        %mul3A_329 = arith.muli %add3A_327, %mul3A_328 : i32
        %add3A_330 = arith.addi %mul3A_2, %mul3A_329 : i32
        %dma_start3A_331 = arith.constant 0 : i32
        %dma_start3A_332 = arith.constant 0 : i32
        %dma_start3A_333 = arith.constant 0 : i32
        %dma_start3A_334 = arith.constant 0 : i32
        %dma_start3A_335 = tpu.memref_slice %arg7[%dma_start3A_331, %dma_start3A_333, %dma_start3A_334] : memref<4x500x8xi32, #tpu.memory_space<vmem>> -> memref<1x500x8xi32, #tpu.memory_space<vmem>>
        %dma_start3A_336 = tpu.memref_squeeze %dma_start3A_335 : memref<1x500x8xi32, #tpu.memory_space<vmem>> -> memref<500x8xi32, #tpu.memory_space<vmem>>
        %dma_start3A_337 = tpu.memref_slice %arg2[%add3A_330, %mul3A_0] : memref<320000x128xi32, #tpu.memory_space<hbm>> -> memref<500x8xi32, #tpu.memory_space<hbm>>
        %dma_start3A_338 = tpu.memref_slice %arg9[%dma_start3A_332] : memref<4x!tpu.dma_semaphore, #tpu.memory_space<semaphore_mem>> -> memref<1x!tpu.dma_semaphore, #tpu.memory_space<semaphore_mem>>
        %dma_start3A_339 = tpu.memref_squeeze %dma_start3A_338 : memref<1x!tpu.dma_semaphore, #tpu.memory_space<semaphore_mem>> -> memref<!tpu.dma_semaphore, #tpu.memory_space<semaphore_mem>>
        %dma_start3A_340 = arith.constant 0 : i32
        %dma_start3A_341 = arith.constant 0 : i32
        %dma_start3A_342 = tpu.memref_slice %arg7[%dma_start3A_331, %dma_start3A_340, %dma_start3A_341] : memref<4x500x8xi32, #tpu.memory_space<vmem>> -> memref<1x500x8xi32, #tpu.memory_space<vmem>>
        %dma_start3A_343 = tpu.memref_squeeze %dma_start3A_342 : memref<1x500x8xi32, #tpu.memory_space<vmem>> -> memref<500x8xi32, #tpu.memory_space<vmem>>
        %dma_start3A_344 = tpu.memref_slice %arg2[%add3A_330, %mul3A_0] : memref<320000x128xi32, #tpu.memory_space<hbm>> -> memref<500x8xi32, #tpu.memory_space<hbm>>
        tpu.enqueue_dma source(%dma_start3A_344 : memref<500x8xi32, #tpu.memory_space<hbm>>) target(%dma_start3A_343 : memref<500x8xi32, #tpu.memory_space<vmem>>) target_semaphore(%dma_start3A_339 : memref<!tpu.dma_semaphore, #tpu.memory_space<semaphore_mem>>)
        %dma_start3A_345 = arith.constant 0 : i32
        %dma_start3A_346 = arith.constant 0 : i32
        %dma_start3A_347 = arith.constant 0 : i32
        %dma_start3A_348 = arith.constant 0 : i32
        %dma_start3A_349 = tpu.memref_slice %arg8[%dma_start3A_345, %dma_start3A_347, %dma_start3A_348] : memref<4x500x8xf32, #tpu.memory_space<vmem>> -> memref<1x500x8xf32, #tpu.memory_space<vmem>>
        %dma_start3A_350 = tpu.memref_squeeze %dma_start3A_349 : memref<1x500x8xf32, #tpu.memory_space<vmem>> -> memref<500x8xf32, #tpu.memory_space<vmem>>
        %dma_start3A_351 = tpu.memref_slice %arg3[%add3A_330, %mul3A_0] : memref<320000x128xf32, #tpu.memory_space<hbm>> -> memref<500x8xf32, #tpu.memory_space<hbm>>
        %dma_start3A_352 = tpu.memref_slice %arg10[%dma_start3A_346] : memref<4x!tpu.dma_semaphore, #tpu.memory_space<semaphore_mem>> -> memref<1x!tpu.dma_semaphore, #tpu.memory_space<semaphore_mem>>
        %dma_start3A_353 = tpu.memref_squeeze %dma_start3A_352 : memref<1x!tpu.dma_semaphore, #tpu.memory_space<semaphore_mem>> -> memref<!tpu.dma_semaphore, #tpu.memory_space<semaphore_mem>>
        %dma_start3A_354 = arith.constant 0 : i32
        %dma_start3A_355 = arith.constant 0 : i32
        %dma_start3A_356 = tpu.memref_slice %arg8[%dma_start3A_345, %dma_start3A_354, %dma_start3A_355] : memref<4x500x8xf32, #tpu.memory_space<vmem>> -> memref<1x500x8xf32, #tpu.memory_space<vmem>>
        %dma_start3A_357 = tpu.memref_squeeze %dma_start3A_356 : memref<1x500x8xf32, #tpu.memory_space<vmem>> -> memref<500x8xf32, #tpu.memory_space<vmem>>
        %dma_start3A_358 = tpu.memref_slice %arg3[%add3A_330, %mul3A_0] : memref<320000x128xf32, #tpu.memory_space<hbm>> -> memref<500x8xf32, #tpu.memory_space<hbm>>
        tpu.enqueue_dma source(%dma_start3A_358 : memref<500x8xf32, #tpu.memory_space<hbm>>) target(%dma_start3A_357 : memref<500x8xf32, #tpu.memory_space<vmem>>) target_semaphore(%dma_start3A_353 : memref<!tpu.dma_semaphore, #tpu.memory_space<semaphore_mem>>)
      } else {
      }
      %mul3A_184 = arith.constant 4 : i32
      %mul3A_185 = arith.muli %scan3A_138, %mul3A_184 : i32
      %add3A_186 = arith.constant 1 : i32
      %add3A_187 = arith.addi %mul3A_185, %add3A_186 : i32
      %mul3A_188 = arith.constant 500 : i32
      %mul3A_189 = arith.muli %add3A_187, %mul3A_188 : i32
      %add3A_190 = arith.addi %mul3A_2, %mul3A_189 : i32
      %dma_wait3A_191 = arith.constant 1 : i32
      %dma_wait3A_192 = arith.constant 1 : i32
      %dma_wait3A_193 = arith.constant 0 : i32
      %dma_wait3A_194 = arith.constant 0 : i32
      %dma_wait3A_195 = tpu.memref_slice %arg7[%dma_wait3A_191, %dma_wait3A_193, %dma_wait3A_194] : memref<4x500x8xi32, #tpu.memory_space<vmem>> -> memref<1x500x8xi32, #tpu.memory_space<vmem>>
      %dma_wait3A_196 = tpu.memref_squeeze %dma_wait3A_195 : memref<1x500x8xi32, #tpu.memory_space<vmem>> -> memref<500x8xi32, #tpu.memory_space<vmem>>
      %dma_wait3A_197 = tpu.memref_slice %arg2[%add3A_190, %mul3A_0] : memref<320000x128xi32, #tpu.memory_space<hbm>> -> memref<500x8xi32, #tpu.memory_space<hbm>>
      %dma_wait3A_198 = tpu.memref_slice %arg9[%dma_wait3A_192] : memref<4x!tpu.dma_semaphore, #tpu.memory_space<semaphore_mem>> -> memref<1x!tpu.dma_semaphore, #tpu.memory_space<semaphore_mem>>
      %dma_wait3A_199 = tpu.memref_squeeze %dma_wait3A_198 : memref<1x!tpu.dma_semaphore, #tpu.memory_space<semaphore_mem>> -> memref<!tpu.dma_semaphore, #tpu.memory_space<semaphore_mem>>
      %dma_wait3A_200 = arith.constant 0 : i32
      %dma_wait3A_201 = arith.constant 0 : i32
      %dma_wait3A_202 = tpu.memref_slice %arg7[%dma_wait3A_191, %dma_wait3A_200, %dma_wait3A_201] : memref<4x500x8xi32, #tpu.memory_space<vmem>> -> memref<1x500x8xi32, #tpu.memory_space<vmem>>
      %dma_wait3A_203 = tpu.memref_squeeze %dma_wait3A_202 : memref<1x500x8xi32, #tpu.memory_space<vmem>> -> memref<500x8xi32, #tpu.memory_space<vmem>>
      %dma_wait3A_204 = tpu.memref_slice %arg2[%add3A_190, %mul3A_0] : memref<320000x128xi32, #tpu.memory_space<hbm>> -> memref<500x8xi32, #tpu.memory_space<hbm>>
      tpu.wait_dma2 semaphore(%dma_wait3A_199 : memref<!tpu.dma_semaphore, #tpu.memory_space<semaphore_mem>>) src(%dma_wait3A_204 : memref<500x8xi32, #tpu.memory_space<hbm>>) dst(%dma_wait3A_203 : memref<500x8xi32, #tpu.memory_space<vmem>>)
      %dma_wait3A_205 = arith.constant 1 : i32
      %dma_wait3A_206 = arith.constant 1 : i32
      %dma_wait3A_207 = arith.constant 0 : i32
      %dma_wait3A_208 = arith.constant 0 : i32
      %dma_wait3A_209 = tpu.memref_slice %arg8[%dma_wait3A_205, %dma_wait3A_207, %dma_wait3A_208] : memref<4x500x8xf32, #tpu.memory_space<vmem>> -> memref<1x500x8xf32, #tpu.memory_space<vmem>>
      %dma_wait3A_210 = tpu.memref_squeeze %dma_wait3A_209 : memref<1x500x8xf32, #tpu.memory_space<vmem>> -> memref<500x8xf32, #tpu.memory_space<vmem>>
      %dma_wait3A_211 = tpu.memref_slice %arg3[%add3A_190, %mul3A_0] : memref<320000x128xf32, #tpu.memory_space<hbm>> -> memref<500x8xf32, #tpu.memory_space<hbm>>
      %dma_wait3A_212 = tpu.memref_slice %arg10[%dma_wait3A_206] : memref<4x!tpu.dma_semaphore, #tpu.memory_space<semaphore_mem>> -> memref<1x!tpu.dma_semaphore, #tpu.memory_space<semaphore_mem>>
      %dma_wait3A_213 = tpu.memref_squeeze %dma_wait3A_212 : memref<1x!tpu.dma_semaphore, #tpu.memory_space<semaphore_mem>> -> memref<!tpu.dma_semaphore, #tpu.memory_space<semaphore_mem>>
      %dma_wait3A_214 = arith.constant 0 : i32
      %dma_wait3A_215 = arith.constant 0 : i32
      %dma_wait3A_216 = tpu.memref_slice %arg8[%dma_wait3A_205, %dma_wait3A_214, %dma_wait3A_215] : memref<4x500x8xf32, #tpu.memory_space<vmem>> -> memref<1x500x8xf32, #tpu.memory_space<vmem>>
      %dma_wait3A_217 = tpu.memref_squeeze %dma_wait3A_216 : memref<1x500x8xf32, #tpu.memory_space<vmem>> -> memref<500x8xf32, #tpu.memory_space<vmem>>
      %dma_wait3A_218 = tpu.memref_slice %arg3[%add3A_190, %mul3A_0] : memref<320000x128xf32, #tpu.memory_space<hbm>> -> memref<500x8xf32, #tpu.memory_space<hbm>>
      tpu.wait_dma2 semaphore(%dma_wait3A_213 : memref<!tpu.dma_semaphore, #tpu.memory_space<semaphore_mem>>) src(%dma_wait3A_218 : memref<500x8xf32, #tpu.memory_space<hbm>>) dst(%dma_wait3A_217 : memref<500x8xf32, #tpu.memory_space<vmem>>)
      %parallel_loop3A_219 = arith.constant 0 : i32
      %parallel_loop3A_220 = arith.constant 250 : i32
      %parallel_loop3A_221 = arith.constant 1 : i32
      %parallel_loop3A_222 = arith.constant 1 : i32
      %parallel_loop3A_223 = arith.constant 1 : i32
      scf.for %parallel_loop3A_326 = %parallel_loop3A_219 to %parallel_loop3A_220 step %parallel_loop3A_221  : i32 {
        %parallel_loop3A_327 = arith.constant 2 : i32
        %parallel_loop3A_328 = arith.muli %parallel_loop3A_327, %parallel_loop3A_326 : i32
        %parallel_loop3A_329 = vector.broadcast %parallel_loop3A_328 : i32 to vector<16xi32>
        %parallel_loop3A_330 = arith.addi %shift_right_arithmetic3A_6, %parallel_loop3A_329 : vector<16xi32>
        %parallel_loop3A_331 = arith.constant 0 : i32
        %parallel_loop3A_332 = arith.constant 0 : i32
        %parallel_loop3A_333 = tpu.memref_slice %arg7[%parallel_loop3A_222, %parallel_loop3A_331, %parallel_loop3A_332] : memref<4x500x8xi32, #tpu.memory_space<vmem>> -> memref<1x500x8xi32, #tpu.memory_space<vmem>>
        %parallel_loop3A_334 = tpu.memref_squeeze %parallel_loop3A_333 : memref<1x500x8xi32, #tpu.memory_space<vmem>> -> memref<500x8xi32, #tpu.memory_space<vmem>>
        %parallel_loop3A_335 = tpu.vector_load_idx %parallel_loop3A_334[%parallel_loop3A_330, %and3A_4] : memref<500x8xi32, #tpu.memory_space<vmem>>[vector<16xi32>, vector<16xi32>], vector<16xi32>,
        %parallel_loop3A_336 = arith.constant 0 : i32
        %parallel_loop3A_337 = arith.constant 0 : i32
        %parallel_loop3A_338 = tpu.memref_slice %arg8[%parallel_loop3A_223, %parallel_loop3A_336, %parallel_loop3A_337] : memref<4x500x8xf32, #tpu.memory_space<vmem>> -> memref<1x500x8xf32, #tpu.memory_space<vmem>>
        %parallel_loop3A_339 = tpu.memref_squeeze %parallel_loop3A_338 : memref<1x500x8xf32, #tpu.memory_space<vmem>> -> memref<500x8xf32, #tpu.memory_space<vmem>>
        %parallel_loop3A_340 = tpu.vector_load_idx %parallel_loop3A_339[%parallel_loop3A_330, %and3A_4] : memref<500x8xf32, #tpu.memory_space<vmem>>[vector<16xi32>, vector<16xi32>], vector<16xf32>,
        tpu.vector_store_idx %arg6[%parallel_loop3A_335, %and3A_4], %parallel_loop3A_340 {add = true} : memref<10000x8xf32, #tpu.memory_space<vmem>>[vector<16xi32>, vector<16xi32>], vector<16xf32>,
      } {sc.loop_unroll_factor = 8 : i64, sc.parallel_access}
      %add3A_224 = arith.constant 4 : i32
      %add3A_225 = arith.addi %add3A_187, %add3A_224 : i32
      %lt3A_226 = arith.constant 320 : i32
      %lt3A_227 = arith.cmpi slt, %add3A_225, %lt3A_226 : i32
      %convert_element_type3A_228 = arith.extui %lt3A_227 : i1 to i32
      %cond3A_229 = arith.constant 0 : i32
      %cond3A_230 = arith.cmpi ne, %convert_element_type3A_228, %cond3A_229 : i32
      scf.if %cond3A_230 {
        %add3A_326 = arith.constant 4 : i32
        %add3A_327 = arith.addi %add3A_187, %add3A_326 : i32
        %mul3A_328 = arith.constant 500 : i32
        %mul3A_329 = arith.muli %add3A_327, %mul3A_328 : i32
        %add3A_330 = arith.addi %mul3A_2, %mul3A_329 : i32
        %dma_start3A_331 = arith.constant 1 : i32
        %dma_start3A_332 = arith.constant 1 : i32
        %dma_start3A_333 = arith.constant 0 : i32
        %dma_start3A_334 = arith.constant 0 : i32
        %dma_start3A_335 = tpu.memref_slice %arg7[%dma_start3A_331, %dma_start3A_333, %dma_start3A_334] : memref<4x500x8xi32, #tpu.memory_space<vmem>> -> memref<1x500x8xi32, #tpu.memory_space<vmem>>
        %dma_start3A_336 = tpu.memref_squeeze %dma_start3A_335 : memref<1x500x8xi32, #tpu.memory_space<vmem>> -> memref<500x8xi32, #tpu.memory_space<vmem>>
        %dma_start3A_337 = tpu.memref_slice %arg2[%add3A_330, %mul3A_0] : memref<320000x128xi32, #tpu.memory_space<hbm>> -> memref<500x8xi32, #tpu.memory_space<hbm>>
        %dma_start3A_338 = tpu.memref_slice %arg9[%dma_start3A_332] : memref<4x!tpu.dma_semaphore, #tpu.memory_space<semaphore_mem>> -> memref<1x!tpu.dma_semaphore, #tpu.memory_space<semaphore_mem>>
        %dma_start3A_339 = tpu.memref_squeeze %dma_start3A_338 : memref<1x!tpu.dma_semaphore, #tpu.memory_space<semaphore_mem>> -> memref<!tpu.dma_semaphore, #tpu.memory_space<semaphore_mem>>
        %dma_start3A_340 = arith.constant 0 : i32
        %dma_start3A_341 = arith.constant 0 : i32
        %dma_start3A_342 = tpu.memref_slice %arg7[%dma_start3A_331, %dma_start3A_340, %dma_start3A_341] : memref<4x500x8xi32, #tpu.memory_space<vmem>> -> memref<1x500x8xi32, #tpu.memory_space<vmem>>
        %dma_start3A_343 = tpu.memref_squeeze %dma_start3A_342 : memref<1x500x8xi32, #tpu.memory_space<vmem>> -> memref<500x8xi32, #tpu.memory_space<vmem>>
        %dma_start3A_344 = tpu.memref_slice %arg2[%add3A_330, %mul3A_0] : memref<320000x128xi32, #tpu.memory_space<hbm>> -> memref<500x8xi32, #tpu.memory_space<hbm>>
        tpu.enqueue_dma source(%dma_start3A_344 : memref<500x8xi32, #tpu.memory_space<hbm>>) target(%dma_start3A_343 : memref<500x8xi32, #tpu.memory_space<vmem>>) target_semaphore(%dma_start3A_339 : memref<!tpu.dma_semaphore, #tpu.memory_space<semaphore_mem>>)
        %dma_start3A_345 = arith.constant 1 : i32
        %dma_start3A_346 = arith.constant 1 : i32
        %dma_start3A_347 = arith.constant 0 : i32
        %dma_start3A_348 = arith.constant 0 : i32
        %dma_start3A_349 = tpu.memref_slice %arg8[%dma_start3A_345, %dma_start3A_347, %dma_start3A_348] : memref<4x500x8xf32, #tpu.memory_space<vmem>> -> memref<1x500x8xf32, #tpu.memory_space<vmem>>
        %dma_start3A_350 = tpu.memref_squeeze %dma_start3A_349 : memref<1x500x8xf32, #tpu.memory_space<vmem>> -> memref<500x8xf32, #tpu.memory_space<vmem>>
        %dma_start3A_351 = tpu.memref_slice %arg3[%add3A_330, %mul3A_0] : memref<320000x128xf32, #tpu.memory_space<hbm>> -> memref<500x8xf32, #tpu.memory_space<hbm>>
        %dma_start3A_352 = tpu.memref_slice %arg10[%dma_start3A_346] : memref<4x!tpu.dma_semaphore, #tpu.memory_space<semaphore_mem>> -> memref<1x!tpu.dma_semaphore, #tpu.memory_space<semaphore_mem>>
        %dma_start3A_353 = tpu.memref_squeeze %dma_start3A_352 : memref<1x!tpu.dma_semaphore, #tpu.memory_space<semaphore_mem>> -> memref<!tpu.dma_semaphore, #tpu.memory_space<semaphore_mem>>
        %dma_start3A_354 = arith.constant 0 : i32
        %dma_start3A_355 = arith.constant 0 : i32
        %dma_start3A_356 = tpu.memref_slice %arg8[%dma_start3A_345, %dma_start3A_354, %dma_start3A_355] : memref<4x500x8xf32, #tpu.memory_space<vmem>> -> memref<1x500x8xf32, #tpu.memory_space<vmem>>
        %dma_start3A_357 = tpu.memref_squeeze %dma_start3A_356 : memref<1x500x8xf32, #tpu.memory_space<vmem>> -> memref<500x8xf32, #tpu.memory_space<vmem>>
        %dma_start3A_358 = tpu.memref_slice %arg3[%add3A_330, %mul3A_0] : memref<320000x128xf32, #tpu.memory_space<hbm>> -> memref<500x8xf32, #tpu.memory_space<hbm>>
        tpu.enqueue_dma source(%dma_start3A_358 : memref<500x8xf32, #tpu.memory_space<hbm>>) target(%dma_start3A_357 : memref<500x8xf32, #tpu.memory_space<vmem>>) target_semaphore(%dma_start3A_353 : memref<!tpu.dma_semaphore, #tpu.memory_space<semaphore_mem>>)
      } else {
      }
      %mul3A_231 = arith.constant 4 : i32
      %mul3A_232 = arith.muli %scan3A_138, %mul3A_231 : i32
      %add3A_233 = arith.constant 2 : i32
      %add3A_234 = arith.addi %mul3A_232, %add3A_233 : i32
      %mul3A_235 = arith.constant 500 : i32
      %mul3A_236 = arith.muli %add3A_234, %mul3A_235 : i32
      %add3A_237 = arith.addi %mul3A_2, %mul3A_236 : i32
      %dma_wait3A_238 = arith.constant 2 : i32
      %dma_wait3A_239 = arith.constant 2 : i32
      %dma_wait3A_240 = arith.constant 0 : i32
      %dma_wait3A_241 = arith.constant 0 : i32
      %dma_wait3A_242 = tpu.memref_slice %arg7[%dma_wait3A_238, %dma_wait3A_240, %dma_wait3A_241] : memref<4x500x8xi32, #tpu.memory_space<vmem>> -> memref<1x500x8xi32, #tpu.memory_space<vmem>>
      %dma_wait3A_243 = tpu.memref_squeeze %dma_wait3A_242 : memref<1x500x8xi32, #tpu.memory_space<vmem>> -> memref<500x8xi32, #tpu.memory_space<vmem>>
      %dma_wait3A_244 = tpu.memref_slice %arg2[%add3A_237, %mul3A_0] : memref<320000x128xi32, #tpu.memory_space<hbm>> -> memref<500x8xi32, #tpu.memory_space<hbm>>
      %dma_wait3A_245 = tpu.memref_slice %arg9[%dma_wait3A_239] : memref<4x!tpu.dma_semaphore, #tpu.memory_space<semaphore_mem>> -> memref<1x!tpu.dma_semaphore, #tpu.memory_space<semaphore_mem>>
      %dma_wait3A_246 = tpu.memref_squeeze %dma_wait3A_245 : memref<1x!tpu.dma_semaphore, #tpu.memory_space<semaphore_mem>> -> memref<!tpu.dma_semaphore, #tpu.memory_space<semaphore_mem>>
      %dma_wait3A_247 = arith.constant 0 : i32
      %dma_wait3A_248 = arith.constant 0 : i32
      %dma_wait3A_249 = tpu.memref_slice %arg7[%dma_wait3A_238, %dma_wait3A_247, %dma_wait3A_248] : memref<4x500x8xi32, #tpu.memory_space<vmem>> -> memref<1x500x8xi32, #tpu.memory_space<vmem>>
      %dma_wait3A_250 = tpu.memref_squeeze %dma_wait3A_249 : memref<1x500x8xi32, #tpu.memory_space<vmem>> -> memref<500x8xi32, #tpu.memory_space<vmem>>
      %dma_wait3A_251 = tpu.memref_slice %arg2[%add3A_237, %mul3A_0] : memref<320000x128xi32, #tpu.memory_space<hbm>> -> memref<500x8xi32, #tpu.memory_space<hbm>>
      tpu.wait_dma2 semaphore(%dma_wait3A_246 : memref<!tpu.dma_semaphore, #tpu.memory_space<semaphore_mem>>) src(%dma_wait3A_251 : memref<500x8xi32, #tpu.memory_space<hbm>>) dst(%dma_wait3A_250 : memref<500x8xi32, #tpu.memory_space<vmem>>)
      %dma_wait3A_252 = arith.constant 2 : i32
      %dma_wait3A_253 = arith.constant 2 : i32
      %dma_wait3A_254 = arith.constant 0 : i32
      %dma_wait3A_255 = arith.constant 0 : i32
      %dma_wait3A_256 = tpu.memref_slice %arg8[%dma_wait3A_252, %dma_wait3A_254, %dma_wait3A_255] : memref<4x500x8xf32, #tpu.memory_space<vmem>> -> memref<1x500x8xf32, #tpu.memory_space<vmem>>
      %dma_wait3A_257 = tpu.memref_squeeze %dma_wait3A_256 : memref<1x500x8xf32, #tpu.memory_space<vmem>> -> memref<500x8xf32, #tpu.memory_space<vmem>>
      %dma_wait3A_258 = tpu.memref_slice %arg3[%add3A_237, %mul3A_0] : memref<320000x128xf32, #tpu.memory_space<hbm>> -> memref<500x8xf32, #tpu.memory_space<hbm>>
      %dma_wait3A_259 = tpu.memref_slice %arg10[%dma_wait3A_253] : memref<4x!tpu.dma_semaphore, #tpu.memory_space<semaphore_mem>> -> memref<1x!tpu.dma_semaphore, #tpu.memory_space<semaphore_mem>>
      %dma_wait3A_260 = tpu.memref_squeeze %dma_wait3A_259 : memref<1x!tpu.dma_semaphore, #tpu.memory_space<semaphore_mem>> -> memref<!tpu.dma_semaphore, #tpu.memory_space<semaphore_mem>>
      %dma_wait3A_261 = arith.constant 0 : i32
      %dma_wait3A_262 = arith.constant 0 : i32
      %dma_wait3A_263 = tpu.memref_slice %arg8[%dma_wait3A_252, %dma_wait3A_261, %dma_wait3A_262] : memref<4x500x8xf32, #tpu.memory_space<vmem>> -> memref<1x500x8xf32, #tpu.memory_space<vmem>>
      %dma_wait3A_264 = tpu.memref_squeeze %dma_wait3A_263 : memref<1x500x8xf32, #tpu.memory_space<vmem>> -> memref<500x8xf32, #tpu.memory_space<vmem>>
      %dma_wait3A_265 = tpu.memref_slice %arg3[%add3A_237, %mul3A_0] : memref<320000x128xf32, #tpu.memory_space<hbm>> -> memref<500x8xf32, #tpu.memory_space<hbm>>
      tpu.wait_dma2 semaphore(%dma_wait3A_260 : memref<!tpu.dma_semaphore, #tpu.memory_space<semaphore_mem>>) src(%dma_wait3A_265 : memref<500x8xf32, #tpu.memory_space<hbm>>) dst(%dma_wait3A_264 : memref<500x8xf32, #tpu.memory_space<vmem>>)
      %parallel_loop3A_266 = arith.constant 0 : i32
      %parallel_loop3A_267 = arith.constant 250 : i32
      %parallel_loop3A_268 = arith.constant 1 : i32
      %parallel_loop3A_269 = arith.constant 2 : i32
      %parallel_loop3A_270 = arith.constant 2 : i32
      scf.for %parallel_loop3A_326 = %parallel_loop3A_266 to %parallel_loop3A_267 step %parallel_loop3A_268  : i32 {
        %parallel_loop3A_327 = arith.constant 2 : i32
        %parallel_loop3A_328 = arith.muli %parallel_loop3A_327, %parallel_loop3A_326 : i32
        %parallel_loop3A_329 = vector.broadcast %parallel_loop3A_328 : i32 to vector<16xi32>
        %parallel_loop3A_330 = arith.addi %shift_right_arithmetic3A_6, %parallel_loop3A_329 : vector<16xi32>
        %parallel_loop3A_331 = arith.constant 0 : i32
        %parallel_loop3A_332 = arith.constant 0 : i32
        %parallel_loop3A_333 = tpu.memref_slice %arg7[%parallel_loop3A_269, %parallel_loop3A_331, %parallel_loop3A_332] : memref<4x500x8xi32, #tpu.memory_space<vmem>> -> memref<1x500x8xi32, #tpu.memory_space<vmem>>
        %parallel_loop3A_334 = tpu.memref_squeeze %parallel_loop3A_333 : memref<1x500x8xi32, #tpu.memory_space<vmem>> -> memref<500x8xi32, #tpu.memory_space<vmem>>
        %parallel_loop3A_335 = tpu.vector_load_idx %parallel_loop3A_334[%parallel_loop3A_330, %and3A_4] : memref<500x8xi32, #tpu.memory_space<vmem>>[vector<16xi32>, vector<16xi32>], vector<16xi32>,
        %parallel_loop3A_336 = arith.constant 0 : i32
        %parallel_loop3A_337 = arith.constant 0 : i32
        %parallel_loop3A_338 = tpu.memref_slice %arg8[%parallel_loop3A_270, %parallel_loop3A_336, %parallel_loop3A_337] : memref<4x500x8xf32, #tpu.memory_space<vmem>> -> memref<1x500x8xf32, #tpu.memory_space<vmem>>
        %parallel_loop3A_339 = tpu.memref_squeeze %parallel_loop3A_338 : memref<1x500x8xf32, #tpu.memory_space<vmem>> -> memref<500x8xf32, #tpu.memory_space<vmem>>
        %parallel_loop3A_340 = tpu.vector_load_idx %parallel_loop3A_339[%parallel_loop3A_330, %and3A_4] : memref<500x8xf32, #tpu.memory_space<vmem>>[vector<16xi32>, vector<16xi32>], vector<16xf32>,
        tpu.vector_store_idx %arg6[%parallel_loop3A_335, %and3A_4], %parallel_loop3A_340 {add = true} : memref<10000x8xf32, #tpu.memory_space<vmem>>[vector<16xi32>, vector<16xi32>], vector<16xf32>,
      } {sc.loop_unroll_factor = 8 : i64, sc.parallel_access}
      %add3A_271 = arith.constant 4 : i32
      %add3A_272 = arith.addi %add3A_234, %add3A_271 : i32
      %lt3A_273 = arith.constant 320 : i32
      %lt3A_274 = arith.cmpi slt, %add3A_272, %lt3A_273 : i32
      %convert_element_type3A_275 = arith.extui %lt3A_274 : i1 to i32
      %cond3A_276 = arith.constant 0 : i32
      %cond3A_277 = arith.cmpi ne, %convert_element_type3A_275, %cond3A_276 : i32
      scf.if %cond3A_277 {
        %add3A_326 = arith.constant 4 : i32
        %add3A_327 = arith.addi %add3A_234, %add3A_326 : i32
        %mul3A_328 = arith.constant 500 : i32
        %mul3A_329 = arith.muli %add3A_327, %mul3A_328 : i32
        %add3A_330 = arith.addi %mul3A_2, %mul3A_329 : i32
        %dma_start3A_331 = arith.constant 2 : i32
        %dma_start3A_332 = arith.constant 2 : i32
        %dma_start3A_333 = arith.constant 0 : i32
        %dma_start3A_334 = arith.constant 0 : i32
        %dma_start3A_335 = tpu.memref_slice %arg7[%dma_start3A_331, %dma_start3A_333, %dma_start3A_334] : memref<4x500x8xi32, #tpu.memory_space<vmem>> -> memref<1x500x8xi32, #tpu.memory_space<vmem>>
        %dma_start3A_336 = tpu.memref_squeeze %dma_start3A_335 : memref<1x500x8xi32, #tpu.memory_space<vmem>> -> memref<500x8xi32, #tpu.memory_space<vmem>>
        %dma_start3A_337 = tpu.memref_slice %arg2[%add3A_330, %mul3A_0] : memref<320000x128xi32, #tpu.memory_space<hbm>> -> memref<500x8xi32, #tpu.memory_space<hbm>>
        %dma_start3A_338 = tpu.memref_slice %arg9[%dma_start3A_332] : memref<4x!tpu.dma_semaphore, #tpu.memory_space<semaphore_mem>> -> memref<1x!tpu.dma_semaphore, #tpu.memory_space<semaphore_mem>>
        %dma_start3A_339 = tpu.memref_squeeze %dma_start3A_338 : memref<1x!tpu.dma_semaphore, #tpu.memory_space<semaphore_mem>> -> memref<!tpu.dma_semaphore, #tpu.memory_space<semaphore_mem>>
        %dma_start3A_340 = arith.constant 0 : i32
        %dma_start3A_341 = arith.constant 0 : i32
        %dma_start3A_342 = tpu.memref_slice %arg7[%dma_start3A_331, %dma_start3A_340, %dma_start3A_341] : memref<4x500x8xi32, #tpu.memory_space<vmem>> -> memref<1x500x8xi32, #tpu.memory_space<vmem>>
        %dma_start3A_343 = tpu.memref_squeeze %dma_start3A_342 : memref<1x500x8xi32, #tpu.memory_space<vmem>> -> memref<500x8xi32, #tpu.memory_space<vmem>>
        %dma_start3A_344 = tpu.memref_slice %arg2[%add3A_330, %mul3A_0] : memref<320000x128xi32, #tpu.memory_space<hbm>> -> memref<500x8xi32, #tpu.memory_space<hbm>>
        tpu.enqueue_dma source(%dma_start3A_344 : memref<500x8xi32, #tpu.memory_space<hbm>>) target(%dma_start3A_343 : memref<500x8xi32, #tpu.memory_space<vmem>>) target_semaphore(%dma_start3A_339 : memref<!tpu.dma_semaphore, #tpu.memory_space<semaphore_mem>>)
        %dma_start3A_345 = arith.constant 2 : i32
        %dma_start3A_346 = arith.constant 2 : i32
        %dma_start3A_347 = arith.constant 0 : i32
        %dma_start3A_348 = arith.constant 0 : i32
        %dma_start3A_349 = tpu.memref_slice %arg8[%dma_start3A_345, %dma_start3A_347, %dma_start3A_348] : memref<4x500x8xf32, #tpu.memory_space<vmem>> -> memref<1x500x8xf32, #tpu.memory_space<vmem>>
        %dma_start3A_350 = tpu.memref_squeeze %dma_start3A_349 : memref<1x500x8xf32, #tpu.memory_space<vmem>> -> memref<500x8xf32, #tpu.memory_space<vmem>>
        %dma_start3A_351 = tpu.memref_slice %arg3[%add3A_330, %mul3A_0] : memref<320000x128xf32, #tpu.memory_space<hbm>> -> memref<500x8xf32, #tpu.memory_space<hbm>>
        %dma_start3A_352 = tpu.memref_slice %arg10[%dma_start3A_346] : memref<4x!tpu.dma_semaphore, #tpu.memory_space<semaphore_mem>> -> memref<1x!tpu.dma_semaphore, #tpu.memory_space<semaphore_mem>>
        %dma_start3A_353 = tpu.memref_squeeze %dma_start3A_352 : memref<1x!tpu.dma_semaphore, #tpu.memory_space<semaphore_mem>> -> memref<!tpu.dma_semaphore, #tpu.memory_space<semaphore_mem>>
        %dma_start3A_354 = arith.constant 0 : i32
        %dma_start3A_355 = arith.constant 0 : i32
        %dma_start3A_356 = tpu.memref_slice %arg8[%dma_start3A_345, %dma_start3A_354, %dma_start3A_355] : memref<4x500x8xf32, #tpu.memory_space<vmem>> -> memref<1x500x8xf32, #tpu.memory_space<vmem>>
        %dma_start3A_357 = tpu.memref_squeeze %dma_start3A_356 : memref<1x500x8xf32, #tpu.memory_space<vmem>> -> memref<500x8xf32, #tpu.memory_space<vmem>>
        %dma_start3A_358 = tpu.memref_slice %arg3[%add3A_330, %mul3A_0] : memref<320000x128xf32, #tpu.memory_space<hbm>> -> memref<500x8xf32, #tpu.memory_space<hbm>>
        tpu.enqueue_dma source(%dma_start3A_358 : memref<500x8xf32, #tpu.memory_space<hbm>>) target(%dma_start3A_357 : memref<500x8xf32, #tpu.memory_space<vmem>>) target_semaphore(%dma_start3A_353 : memref<!tpu.dma_semaphore, #tpu.memory_space<semaphore_mem>>)
      } else {
      }
      %mul3A_278 = arith.constant 4 : i32
      %mul3A_279 = arith.muli %scan3A_138, %mul3A_278 : i32
      %add3A_280 = arith.constant 3 : i32
      %add3A_281 = arith.addi %mul3A_279, %add3A_280 : i32
      %mul3A_282 = arith.constant 500 : i32
      %mul3A_283 = arith.muli %add3A_281, %mul3A_282 : i32
      %add3A_284 = arith.addi %mul3A_2, %mul3A_283 : i32
      %dma_wait3A_285 = arith.constant 3 : i32
      %dma_wait3A_286 = arith.constant 3 : i32
      %dma_wait3A_287 = arith.constant 0 : i32
      %dma_wait3A_288 = arith.constant 0 : i32
      %dma_wait3A_289 = tpu.memref_slice %arg7[%dma_wait3A_285, %dma_wait3A_287, %dma_wait3A_288] : memref<4x500x8xi32, #tpu.memory_space<vmem>> -> memref<1x500x8xi32, #tpu.memory_space<vmem>>
      %dma_wait3A_290 = tpu.memref_squeeze %dma_wait3A_289 : memref<1x500x8xi32, #tpu.memory_space<vmem>> -> memref<500x8xi32, #tpu.memory_space<vmem>>
      %dma_wait3A_291 = tpu.memref_slice %arg2[%add3A_284, %mul3A_0] : memref<320000x128xi32, #tpu.memory_space<hbm>> -> memref<500x8xi32, #tpu.memory_space<hbm>>
      %dma_wait3A_292 = tpu.memref_slice %arg9[%dma_wait3A_286] : memref<4x!tpu.dma_semaphore, #tpu.memory_space<semaphore_mem>> -> memref<1x!tpu.dma_semaphore, #tpu.memory_space<semaphore_mem>>
      %dma_wait3A_293 = tpu.memref_squeeze %dma_wait3A_292 : memref<1x!tpu.dma_semaphore, #tpu.memory_space<semaphore_mem>> -> memref<!tpu.dma_semaphore, #tpu.memory_space<semaphore_mem>>
      %dma_wait3A_294 = arith.constant 0 : i32
      %dma_wait3A_295 = arith.constant 0 : i32
      %dma_wait3A_296 = tpu.memref_slice %arg7[%dma_wait3A_285, %dma_wait3A_294, %dma_wait3A_295] : memref<4x500x8xi32, #tpu.memory_space<vmem>> -> memref<1x500x8xi32, #tpu.memory_space<vmem>>
      %dma_wait3A_297 = tpu.memref_squeeze %dma_wait3A_296 : memref<1x500x8xi32, #tpu.memory_space<vmem>> -> memref<500x8xi32, #tpu.memory_space<vmem>>
      %dma_wait3A_298 = tpu.memref_slice %arg2[%add3A_284, %mul3A_0] : memref<320000x128xi32, #tpu.memory_space<hbm>> -> memref<500x8xi32, #tpu.memory_space<hbm>>
      tpu.wait_dma2 semaphore(%dma_wait3A_293 : memref<!tpu.dma_semaphore, #tpu.memory_space<semaphore_mem>>) src(%dma_wait3A_298 : memref<500x8xi32, #tpu.memory_space<hbm>>) dst(%dma_wait3A_297 : memref<500x8xi32, #tpu.memory_space<vmem>>)
      %dma_wait3A_299 = arith.constant 3 : i32
      %dma_wait3A_300 = arith.constant 3 : i32
      %dma_wait3A_301 = arith.constant 0 : i32
      %dma_wait3A_302 = arith.constant 0 : i32
      %dma_wait3A_303 = tpu.memref_slice %arg8[%dma_wait3A_299, %dma_wait3A_301, %dma_wait3A_302] : memref<4x500x8xf32, #tpu.memory_space<vmem>> -> memref<1x500x8xf32, #tpu.memory_space<vmem>>
      %dma_wait3A_304 = tpu.memref_squeeze %dma_wait3A_303 : memref<1x500x8xf32, #tpu.memory_space<vmem>> -> memref<500x8xf32, #tpu.memory_space<vmem>>
      %dma_wait3A_305 = tpu.memref_slice %arg3[%add3A_284, %mul3A_0] : memref<320000x128xf32, #tpu.memory_space<hbm>> -> memref<500x8xf32, #tpu.memory_space<hbm>>
      %dma_wait3A_306 = tpu.memref_slice %arg10[%dma_wait3A_300] : memref<4x!tpu.dma_semaphore, #tpu.memory_space<semaphore_mem>> -> memref<1x!tpu.dma_semaphore, #tpu.memory_space<semaphore_mem>>
      %dma_wait3A_307 = tpu.memref_squeeze %dma_wait3A_306 : memref<1x!tpu.dma_semaphore, #tpu.memory_space<semaphore_mem>> -> memref<!tpu.dma_semaphore, #tpu.memory_space<semaphore_mem>>
      %dma_wait3A_308 = arith.constant 0 : i32
      %dma_wait3A_309 = arith.constant 0 : i32
      %dma_wait3A_310 = tpu.memref_slice %arg8[%dma_wait3A_299, %dma_wait3A_308, %dma_wait3A_309] : memref<4x500x8xf32, #tpu.memory_space<vmem>> -> memref<1x500x8xf32, #tpu.memory_space<vmem>>
      %dma_wait3A_311 = tpu.memref_squeeze %dma_wait3A_310 : memref<1x500x8xf32, #tpu.memory_space<vmem>> -> memref<500x8xf32, #tpu.memory_space<vmem>>
      %dma_wait3A_312 = tpu.memref_slice %arg3[%add3A_284, %mul3A_0] : memref<320000x128xf32, #tpu.memory_space<hbm>> -> memref<500x8xf32, #tpu.memory_space<hbm>>
      tpu.wait_dma2 semaphore(%dma_wait3A_307 : memref<!tpu.dma_semaphore, #tpu.memory_space<semaphore_mem>>) src(%dma_wait3A_312 : memref<500x8xf32, #tpu.memory_space<hbm>>) dst(%dma_wait3A_311 : memref<500x8xf32, #tpu.memory_space<vmem>>)
      %parallel_loop3A_313 = arith.constant 0 : i32
      %parallel_loop3A_314 = arith.constant 250 : i32
      %parallel_loop3A_315 = arith.constant 1 : i32
      %parallel_loop3A_316 = arith.constant 3 : i32
      %parallel_loop3A_317 = arith.constant 3 : i32
      scf.for %parallel_loop3A_326 = %parallel_loop3A_313 to %parallel_loop3A_314 step %parallel_loop3A_315  : i32 {
        %parallel_loop3A_327 = arith.constant 2 : i32
        %parallel_loop3A_328 = arith.muli %parallel_loop3A_327, %parallel_loop3A_326 : i32
        %parallel_loop3A_329 = vector.broadcast %parallel_loop3A_328 : i32 to vector<16xi32>
        %parallel_loop3A_330 = arith.addi %shift_right_arithmetic3A_6, %parallel_loop3A_329 : vector<16xi32>
        %parallel_loop3A_331 = arith.constant 0 : i32
        %parallel_loop3A_332 = arith.constant 0 : i32
        %parallel_loop3A_333 = tpu.memref_slice %arg7[%parallel_loop3A_316, %parallel_loop3A_331, %parallel_loop3A_332] : memref<4x500x8xi32, #tpu.memory_space<vmem>> -> memref<1x500x8xi32, #tpu.memory_space<vmem>>
        %parallel_loop3A_334 = tpu.memref_squeeze %parallel_loop3A_333 : memref<1x500x8xi32, #tpu.memory_space<vmem>> -> memref<500x8xi32, #tpu.memory_space<vmem>>
        %parallel_loop3A_335 = tpu.vector_load_idx %parallel_loop3A_334[%parallel_loop3A_330, %and3A_4] : memref<500x8xi32, #tpu.memory_space<vmem>>[vector<16xi32>, vector<16xi32>], vector<16xi32>,
        %parallel_loop3A_336 = arith.constant 0 : i32
        %parallel_loop3A_337 = arith.constant 0 : i32
        %parallel_loop3A_338 = tpu.memref_slice %arg8[%parallel_loop3A_317, %parallel_loop3A_336, %parallel_loop3A_337] : memref<4x500x8xf32, #tpu.memory_space<vmem>> -> memref<1x500x8xf32, #tpu.memory_space<vmem>>
        %parallel_loop3A_339 = tpu.memref_squeeze %parallel_loop3A_338 : memref<1x500x8xf32, #tpu.memory_space<vmem>> -> memref<500x8xf32, #tpu.memory_space<vmem>>
        %parallel_loop3A_340 = tpu.vector_load_idx %parallel_loop3A_339[%parallel_loop3A_330, %and3A_4] : memref<500x8xf32, #tpu.memory_space<vmem>>[vector<16xi32>, vector<16xi32>], vector<16xf32>,
        tpu.vector_store_idx %arg6[%parallel_loop3A_335, %and3A_4], %parallel_loop3A_340 {add = true} : memref<10000x8xf32, #tpu.memory_space<vmem>>[vector<16xi32>, vector<16xi32>], vector<16xf32>,
      } {sc.loop_unroll_factor = 8 : i64, sc.parallel_access}
      %add3A_318 = arith.constant 4 : i32
      %add3A_319 = arith.addi %add3A_281, %add3A_318 : i32
      %lt3A_320 = arith.constant 320 : i32
      %lt3A_321 = arith.cmpi slt, %add3A_319, %lt3A_320 : i32
      %convert_element_type3A_322 = arith.extui %lt3A_321 : i1 to i32
      %cond3A_323 = arith.constant 0 : i32
      %cond3A_324 = arith.cmpi ne, %convert_element_type3A_322, %cond3A_323 : i32
      scf.if %cond3A_324 {
        %add3A_326 = arith.constant 4 : i32
        %add3A_327 = arith.addi %add3A_281, %add3A_326 : i32
        %mul3A_328 = arith.constant 500 : i32
        %mul3A_329 = arith.muli %add3A_327, %mul3A_328 : i32
        %add3A_330 = arith.addi %mul3A_2, %mul3A_329 : i32
        %dma_start3A_331 = arith.constant 3 : i32
        %dma_start3A_332 = arith.constant 3 : i32
        %dma_start3A_333 = arith.constant 0 : i32
        %dma_start3A_334 = arith.constant 0 : i32
        %dma_start3A_335 = tpu.memref_slice %arg7[%dma_start3A_331, %dma_start3A_333, %dma_start3A_334] : memref<4x500x8xi32, #tpu.memory_space<vmem>> -> memref<1x500x8xi32, #tpu.memory_space<vmem>>
        %dma_start3A_336 = tpu.memref_squeeze %dma_start3A_335 : memref<1x500x8xi32, #tpu.memory_space<vmem>> -> memref<500x8xi32, #tpu.memory_space<vmem>>
        %dma_start3A_337 = tpu.memref_slice %arg2[%add3A_330, %mul3A_0] : memref<320000x128xi32, #tpu.memory_space<hbm>> -> memref<500x8xi32, #tpu.memory_space<hbm>>
        %dma_start3A_338 = tpu.memref_slice %arg9[%dma_start3A_332] : memref<4x!tpu.dma_semaphore, #tpu.memory_space<semaphore_mem>> -> memref<1x!tpu.dma_semaphore, #tpu.memory_space<semaphore_mem>>
        %dma_start3A_339 = tpu.memref_squeeze %dma_start3A_338 : memref<1x!tpu.dma_semaphore, #tpu.memory_space<semaphore_mem>> -> memref<!tpu.dma_semaphore, #tpu.memory_space<semaphore_mem>>
        %dma_start3A_340 = arith.constant 0 : i32
        %dma_start3A_341 = arith.constant 0 : i32
        %dma_start3A_342 = tpu.memref_slice %arg7[%dma_start3A_331, %dma_start3A_340, %dma_start3A_341] : memref<4x500x8xi32, #tpu.memory_space<vmem>> -> memref<1x500x8xi32, #tpu.memory_space<vmem>>
        %dma_start3A_343 = tpu.memref_squeeze %dma_start3A_342 : memref<1x500x8xi32, #tpu.memory_space<vmem>> -> memref<500x8xi32, #tpu.memory_space<vmem>>
        %dma_start3A_344 = tpu.memref_slice %arg2[%add3A_330, %mul3A_0] : memref<320000x128xi32, #tpu.memory_space<hbm>> -> memref<500x8xi32, #tpu.memory_space<hbm>>
        tpu.enqueue_dma source(%dma_start3A_344 : memref<500x8xi32, #tpu.memory_space<hbm>>) target(%dma_start3A_343 : memref<500x8xi32, #tpu.memory_space<vmem>>) target_semaphore(%dma_start3A_339 : memref<!tpu.dma_semaphore, #tpu.memory_space<semaphore_mem>>)
        %dma_start3A_345 = arith.constant 3 : i32
        %dma_start3A_346 = arith.constant 3 : i32
        %dma_start3A_347 = arith.constant 0 : i32
        %dma_start3A_348 = arith.constant 0 : i32
        %dma_start3A_349 = tpu.memref_slice %arg8[%dma_start3A_345, %dma_start3A_347, %dma_start3A_348] : memref<4x500x8xf32, #tpu.memory_space<vmem>> -> memref<1x500x8xf32, #tpu.memory_space<vmem>>
        %dma_start3A_350 = tpu.memref_squeeze %dma_start3A_349 : memref<1x500x8xf32, #tpu.memory_space<vmem>> -> memref<500x8xf32, #tpu.memory_space<vmem>>
        %dma_start3A_351 = tpu.memref_slice %arg3[%add3A_330, %mul3A_0] : memref<320000x128xf32, #tpu.memory_space<hbm>> -> memref<500x8xf32, #tpu.memory_space<hbm>>
        %dma_start3A_352 = tpu.memref_slice %arg10[%dma_start3A_346] : memref<4x!tpu.dma_semaphore, #tpu.memory_space<semaphore_mem>> -> memref<1x!tpu.dma_semaphore, #tpu.memory_space<semaphore_mem>>
        %dma_start3A_353 = tpu.memref_squeeze %dma_start3A_352 : memref<1x!tpu.dma_semaphore, #tpu.memory_space<semaphore_mem>> -> memref<!tpu.dma_semaphore, #tpu.memory_space<semaphore_mem>>
        %dma_start3A_354 = arith.constant 0 : i32
        %dma_start3A_355 = arith.constant 0 : i32
        %dma_start3A_356 = tpu.memref_slice %arg8[%dma_start3A_345, %dma_start3A_354, %dma_start3A_355] : memref<4x500x8xf32, #tpu.memory_space<vmem>> -> memref<1x500x8xf32, #tpu.memory_space<vmem>>
        %dma_start3A_357 = tpu.memref_squeeze %dma_start3A_356 : memref<1x500x8xf32, #tpu.memory_space<vmem>> -> memref<500x8xf32, #tpu.memory_space<vmem>>
        %dma_start3A_358 = tpu.memref_slice %arg3[%add3A_330, %mul3A_0] : memref<320000x128xf32, #tpu.memory_space<hbm>> -> memref<500x8xf32, #tpu.memory_space<hbm>>
        tpu.enqueue_dma source(%dma_start3A_358 : memref<500x8xf32, #tpu.memory_space<hbm>>) target(%dma_start3A_357 : memref<500x8xf32, #tpu.memory_space<vmem>>) target_semaphore(%dma_start3A_353 : memref<!tpu.dma_semaphore, #tpu.memory_space<semaphore_mem>>)
      } else {
      }
      %scan3A_325 = arith.constant 0 : i32
      scf.yield %scan3A_325 : i32
    }
    %scan3A_137 = arith.constant 80 : i32
    "tpu.region"() ({
      %run_scoped3A = tpu.sem_alloc : memref<!tpu.dma_semaphore, #tpu.memory_space<semaphore_mem>>
      %dma_start3A_138 = arith.constant 0 : i32
      %dma_start3A_139 = tpu.memref_slice %arg5[%arg0, %dma_start3A_138, %mul3A_0] : memref<2x10000x128xf32, #tpu.memory_space<hbm>> -> memref<1x10000x8xf32, #tpu.memory_space<hbm>>
      %dma_start3A_140 = tpu.memref_squeeze %dma_start3A_139 : memref<1x10000x8xf32, #tpu.memory_space<hbm>> -> memref<10000x8xf32, #tpu.memory_space<hbm>>
      %dma_start3A_141 = arith.constant 0 : i32
      %dma_start3A_142 = tpu.memref_slice %arg5[%arg0, %dma_start3A_141, %mul3A_0] : memref<2x10000x128xf32, #tpu.memory_space<hbm>> -> memref<1x10000x8xf32, #tpu.memory_space<hbm>>
      %dma_start3A_143 = tpu.memref_squeeze %dma_start3A_142 : memref<1x10000x8xf32, #tpu.memory_space<hbm>> -> memref<10000x8xf32, #tpu.memory_space<hbm>>
      tpu.enqueue_dma source(%arg6 : memref<10000x8xf32, #tpu.memory_space<vmem>>) target(%dma_start3A_143 : memref<10000x8xf32, #tpu.memory_space<hbm>>) target_semaphore(%run_scoped3A : memref<!tpu.dma_semaphore, #tpu.memory_space<semaphore_mem>>)
      %dma_wait3A = arith.constant 0 : i32
      %dma_wait3A_144 = tpu.memref_slice %arg5[%arg0, %dma_wait3A, %mul3A_0] : memref<2x10000x128xf32, #tpu.memory_space<hbm>> -> memref<1x10000x8xf32, #tpu.memory_space<hbm>>
      %dma_wait3A_145 = tpu.memref_squeeze %dma_wait3A_144 : memref<1x10000x8xf32, #tpu.memory_space<hbm>> -> memref<10000x8xf32, #tpu.memory_space<hbm>>
      %dma_wait3A_146 = arith.constant 0 : i32
      %dma_wait3A_147 = tpu.memref_slice %arg5[%arg0, %dma_wait3A_146, %mul3A_0] : memref<2x10000x128xf32, #tpu.memory_space<hbm>> -> memref<1x10000x8xf32, #tpu.memory_space<hbm>>
      %dma_wait3A_148 = tpu.memref_squeeze %dma_wait3A_147 : memref<1x10000x8xf32, #tpu.memory_space<hbm>> -> memref<10000x8xf32, #tpu.memory_space<hbm>>
      tpu.wait_dma2 semaphore(%run_scoped3A : memref<!tpu.dma_semaphore, #tpu.memory_space<semaphore_mem>>) src(%arg6 : memref<10000x8xf32, #tpu.memory_space<vmem>>) dst(%dma_wait3A_148 : memref<10000x8xf32, #tpu.memory_space<hbm>>)
      tpu.yield
    }) : () -> ()
    return
  }
}

module attributes {stable_mosaic.version = 14 : i64} {
  func.func @_combine_body(%arg0: i32, %arg1: memref<2x1000x128xf32, #tpu.memory_space<vmem>>, %arg2: memref<1000x128xf32, #tpu.memory_space<vmem>>) attributes {dimension_semantics = [#tpu.dimension_semantics<arbitrary>], iteration_bounds = array<i64: 10>, scalar_prefetch = 0 : i64, scratch_operands = 0 : i64, tpu.core_type = #tpu.core_type<tc>, window_params = [{transform_indices = @transform_0, window_bounds = array<i64: 2, 1000, 128>}, {transform_indices = @transform_1, window_bounds = array<i64: 1000, 128>}]} {
    %get3A = arith.constant 0 : index
    %get3A_0 = arith.constant 0 : index
    %get3A_1 = arith.constant 0 : index
    %get3A_2 = vector.load %arg1[%get3A, %get3A_0, %get3A_1] : memref<2x1000x128xf32, #tpu.memory_space<vmem>>, vector<1x1000x128xf32>
    %get3A_3 = vector.shape_cast %get3A_2 : vector<1x1000x128xf32> to vector<1000x128xf32>
    %get3A_4 = arith.constant 1 : index
    %get3A_5 = arith.constant 0 : index
    %get3A_6 = arith.constant 0 : index
    %get3A_7 = vector.load %arg1[%get3A_4, %get3A_5, %get3A_6] : memref<2x1000x128xf32, #tpu.memory_space<vmem>>, vector<1x1000x128xf32>
    %get3A_8 = vector.shape_cast %get3A_7 : vector<1x1000x128xf32> to vector<1000x128xf32>
    %add3A = arith.addf %get3A_3, %get3A_8 : vector<1000x128xf32>
    %swap3A = arith.constant 0 : index
    %swap3A_9 = arith.constant 0 : index
    %swap3A_10 = vector.load %arg2[%swap3A, %swap3A_9] : memref<1000x128xf32, #tpu.memory_space<vmem>>, vector<1000x128xf32>
    tpu.vector_store %arg2[%swap3A, %swap3A_9], %add3A {strides = array<i32>} : memref<1000x128xf32, #tpu.memory_space<vmem>>, vector<1000x128xf32>,
    return
  }
  func.func @transform_0(%arg0: i32) -> (i32, i32, i32) {
    %c0_i32 = arith.constant 0 : i32
    %c0_i32_0 = arith.constant 0 : i32
    %c0_i32_1 = arith.constant 0 : i32
    return %c0_i32, %arg0, %c0_i32_0 : i32, i32, i32
  }
  func.func @transform_1(%arg0: i32) -> (i32, i32) {
    %c0_i32 = arith.constant 0 : i32
    %c0_i32_0 = arith.constant 0 : i32
    return %arg0, %c0_i32 : i32, i32
  }
}

</mosaic_0001>

<sc_bundles>
// kernel: _run.4.cloned.1.call-start
scs
__scs_entry_jumppad:
0x0: {  	(pc) =	sbr.rel $0x88, $3  }
0x1: {  	(tag) =	ssettag $0x0;
	lr =	simm.s32 $0x1  }
0x2: {  	[smem:$0x3F9E] =	sst lr;
	_ =	strace $0xD0000000  }
0x3: {  	_ = 	snop  }
0x4: {  	_ = 	snop  }
0x5: {  	_ = 	snop  }
0x6: {  	_ = 	snop  }
0x7: {  	_ = 	snop  }
__scs_overlays_trampoline_lowered:
0x8: {  	[smem:$0x3FAD] =	sst s0  }
0x9: {  	[smem:$0x3FAE] =	sst s1  }
0xa: {  	[smem:$0x3FAF] =	sst s2  }
0xb: {  	[smem:$0x3FB0] =	sst s3  }
0xc: {  	[smem:$0x3FB1] =	sst s4  }
0xd: {  	[smem:$0x3FB2] =	sst s5  }
0xe: {  	[smem:$0x3FB3] =	sst s6  }
0xf: {  	[smem:$0x3FB4] =	sst s7  }
0x10: {  	[smem:$0x3FB5] =	sst s8  }
0x11: {  	[smem:$0x3FB6] =	sst s9;
	s0 =	simm.s32 @!p0 $0x0  }
0x12: {  	s1 =	sld [smem:$0x3F9C];
	s0 =	simm.s32 @p0 $0x1  }
0x13: {  	[smem:$0x3FB7] =	sst s0;
	s0 =	simm.s32 @!p1 $0x0  }
0x14: {  	s2 =	sld [smem:$0x3F9B];
	s0 =	simm.s32 @p1 $0x1  }
0x15: {  	[smem:$0x3FB8] =	sst s0;
	s0 =	simm.s32 @!p2 $0x0  }
0x16: {  	s3 =	sld [smem:$0x3FDB];
	s0 =	simm.s32 @p2 $0x1  }
0x17: {  	s4 =	simm.s32 $0x1BF5;
	[smem:$0x3FBA] =	sst s0  }
0x18: {  	s0 =	sld [smem:$0x3F9D];
	_ =	swait.ge [sflag:s4], $0x0  }
0x19: {  	s7 =	sld [smem:$0x3F9E]  }
0x1a: {  	s8 =	sadd.s32 $0xFFFFE003, lr  }
0x1b: {  	s9 =	sadd.s32 $0xFFFFFEF7, lr;
	s5 =	simm.s32 $0xFFFFFFFF;
	p2 =	slt.u32 s8, $0xFFFFF086  }
0x1c: {  	p1 =	slt.u32 s9, $0xF7A;
	s5 =	simm.s32 @!p2 $0x0  }
0x1d: {  	s5 =	simm.s32 @p1 $0x1;
	p0 =	seq.s32 s7, s2  }
0x1e: {  	s7 =	smul.u32 @!p0 $0xF7A, s2;
	p2 =	seq.s32 @!p0 s5, $0x0  }
0x1f: {  	s9 =	smul.u32 $0xF7A, s1;
	s8 =	simm.s32 @!p0 $0x1BF5;
	p2 =	por !p2, p0  }
0x20: {  	[sflag:s8] =	ssyncset.s32 @!p0 $0xFFFFF086;
	s6 =	sadd.s32 @!p0 s3, s7;
	s7 =	simm.s32 @!p0 $0x108  }
0x21: {  	s3 =	sadd.s32 s3, s9;
	s6 =	sadd.s32 @!p0 $0x88, s6;
	s7 =	simm.s32 @p2 $0x1082  }
0x22: {  	[simem:s7], [sflag:s8] =	dma.local @!p0 [hbm:s6], $0xF7A  }
0x23: {  	s9 =	sor.u32 $0xD0000000, s2;
	s6 =	simm.s32 $0x108;
	_ =	swait.ge @!p0 [sflag:s8], $0x0  }
0x24: {  	s3 =	sadd.s32 $0x88, s3;
	s6 =	simm.s32 @!p1 $0x1082;
	[sflag:s4] =	ssyncset.s32 $0xFFFFF086  }
0x25: {  	[simem:s6], [sflag:s4] =	dma.local [hbm:s3], $0xF7A  }
0x26: {  	[smem:$0x3F9E] =	sst s1;
	(tag) =	ssettag s2;
	_ =	strace s9  }
0x27: {  	s1 =	sld [smem:$0x3FAE]  }
0x28: {  	s2 =	sld [smem:$0x3FAF]  }
0x29: {  	s4 =	sld [smem:$0x3FB1]  }
0x2a: {  	p0 =	seq.s32 s5, $0x0;
	s5 =	sld [smem:$0x3FB2]  }
0x2b: {  	s6 =	sld [smem:$0x3FB3]  }
0x2c: {  	s7 =	sld [smem:$0x3FB4]  }
0x2d: {  	s3 =	simm.s32 $0x108;
	s8 =	sld [smem:$0x3FB5]  }
0x2e: {  	s3 =	simm.s32 @!p0 $0x1082;
	s9 =	sld [smem:$0x3FB6]  }
0x2f: {  	lr =	sadd.s32 s0, s3;
	s0 =	sld [smem:$0x3FAD]  }
0x30: {  	s3 =	sld [smem:$0x3FB0]  }
0x31: {  	[smem:$0x3FB9] =	sst s10  }
0x32: {  	s10 =	sld [smem:$0x3FB7];
	_ =	sdelay $0x3  }
0x33: {  	p0 =	seq.s32 s10, $0x1;
	s10 =	sld [smem:$0x3FB9];
	_ =	sdelay $0x3  }
0x34: {  	[smem:$0x3FB9] =	sst s10  }
0x35: {  	s10 =	sld [smem:$0x3FB8];
	_ =	sdelay $0x3  }
0x36: {  	p1 =	seq.s32 s10, $0x1;
	s10 =	sld [smem:$0x3FB9];
	_ =	sdelay $0x3  }
0x37: {  	[smem:$0x3FB9] =	sst s10  }
0x38: {  	s10 =	sld [smem:$0x3FBA]  }
0x39: {  	_ = 	snop;
	(pc) =	sbr.ind lr, $3  }
0x3a: {  	_ = 	snop  }
0x3b: {  	_ = 	snop  }
0x3c: {  	p2 =	seq.s32 s10, $0x1;
	s10 =	sld [smem:$0x3FB9]  }
0x3d: {  	_ =	shalt  }
0x3e: {  	_ =	shalt  }
0x3f: {  	_ =	shalt  }
0x40: {  	_ =	shalt  }
0x41: {  	_ =	shalt  }
0x42: {  	_ =	shalt  }
0x43: {  	_ =	shalt  }
0x44: {  	_ =	shalt  }
0x45: {  	_ =	shalt  }
0x46: {  	_ =	shalt  }
0x47: {  	_ =	shalt  }
0x48: {  	_ =	shalt  }
0x49: {  	_ =	shalt  }
0x4a: {  	_ =	shalt  }
0x4b: {  	_ =	shalt  }
0x4c: {  	_ =	shalt  }
0x4d: {  	_ =	shalt  }
0x4e: {  	_ =	shalt  }
0x4f: {  	_ =	shalt  }
0x50: {  	_ =	shalt  }
0x51: {  	_ =	shalt  }
0x52: {  	_ =	shalt  }
0x53: {  	_ =	shalt  }
0x54: {  	_ =	shalt  }
0x55: {  	_ =	shalt  }
0x56: {  	_ =	shalt  }
0x57: {  	_ =	shalt  }
0x58: {  	_ =	shalt  }
0x59: {  	_ =	shalt  }
0x5a: {  	_ =	shalt  }
0x5b: {  	_ =	shalt  }
0x5c: {  	_ =	shalt  }
0x5d: {  	_ =	shalt  }
0x5e: {  	_ =	shalt  }
0x5f: {  	_ =	shalt  }
0x60: {  	_ =	shalt  }
0x61: {  	_ =	shalt  }
0x62: {  	_ =	shalt  }
0x63: {  	_ =	shalt  }
0x64: {  	_ =	shalt  }
0x65: {  	_ =	shalt  }
0x66: {  	_ =	shalt  }
0x67: {  	_ =	shalt  }
0x68: {  	_ =	shalt  }
0x69: {  	_ =	shalt  }
0x6a: {  	_ =	shalt  }
0x6b: {  	_ =	shalt  }
0x6c: {  	_ =	shalt  }
0x6d: {  	_ =	shalt  }
0x6e: {  	_ =	shalt  }
0x6f: {  	_ =	shalt  }
0x70: {  	_ =	shalt  }
0x71: {  	_ =	shalt  }
0x72: {  	_ =	shalt  }
0x73: {  	_ =	shalt  }
0x74: {  	_ =	shalt  }
0x75: {  	_ =	shalt  }
0x76: {  	_ =	shalt  }
0x77: {  	_ =	shalt  }
0x78: {  	_ =	shalt  }
0x79: {  	_ =	shalt  }
0x7a: {  	_ =	shalt  }
0x7b: {  	_ =	shalt  }
0x7c: {  	_ =	shalt  }
0x7d: {  	_ =	shalt  }
0x7e: {  	_ =	shalt  }
0x7f: {  	_ =	shalt  }
0x80: {  	_ =	shalt  }
0x81: {  	_ =	shalt  }
0x82: {  	_ =	shalt  }
0x83: {  	_ =	shalt  }
0x84: {  	_ =	shalt  }
0x85: {  	_ =	shalt  }
0x86: {  	_ =	shalt  }
0x87: {  	_ =	shalt  }
.Lfunc_end0:
.L_simem_size_0:
called_computation_lowered:
.L_overlay_start_0:
0x88: {  	s2 =	sld [smem:$0x3FD9]  }
0x89: {  	s3 =	sld [smem:$0x3FFE];
	_ =	sdelay $0x1  }
0x8a: {  	s1 =	srdreg.scid  }
0x8b: {  	s0 =	sand.u32 $0x1, s1  }
0x8c: {  	s17 =	sshll.u32 s0, $0xA;
	s2 =	sadd.s32 s3, s2  }
0x8d: {  	s2 =	sadd.s32 s2, s17  }
0x8e: {  	[smem:$0x3FC5] =	sst s2  }
0x8f: {  	_ = 	snop  }
0x90: {  	s2 =	sld [smem:$0x3FC9]  }
0x91: {  	s18 =	sld [smem:$0x3FC8]  }
0x92: {  	s4 =	sld [smem:$0x3FC7];
	(tm) =	ssettm $0x1  }
0x93: {  	s5 =	sld [smem:$0x3FFB];
	_ =	sdelay $0x3  }
0x94: {  	_ =	strace s5  }
0x95: {  	s5 =	sld [smem:$0x3FFC];
	_ =	sdelay $0x3  }
0x96: {  	_ =	strace s5  }
0x97: {  	s5 =	sld [smem:$0x3FFD];
	_ =	sdelay $0x3  }
0x98: {  	_ =	strace s5  }
0x99: {  	_ =	strace $0x8FFFFFFF  }
0x9a: {  	s19 =	sld [smem:$0x3FDB];
	_ =	sdelay $0x1  }
0x9b: {  	s6 =	simm.s32 $_scs_section_size  }
0x9c: {  	s7 =	simm.s32 $_size__tile_overlayer_lowered;
	s8 =	simm.s32 $_tile_overlayer_lowered  }
0x9d: {  	s22 =	simm.s32 $0x1BFF;
	s21 =	sshll.u32 s8, $0x1;
	s5 =	sadd.s32 s6, s19  }
0x9e: {  	s9 =	simm.s32 $0x0;
	s20 =	sshll.u32 s7, $0x1;
	s7 =	sadd.s32 s21, s5  }
0x9f: {  	[timem:s9], [sflag:s22] =	dma.local [hbm:s7], s20  }
0xa0: {  	_ =	swait.ge [sflag:s22], s20  }
0xa1: {  	s6 =	ssub.s32 $0x0, s20;
	[sflag:s22] =	ssyncset.done $0x0  }
0xa2: {  	[sflag:s22] =	ssyncadd.s32 s6;
	_ =	sdelay $0x1  }
0xa3: {  	s23 =	simm.s32 $0x1B8B  }
0xa4: {  	_ =	swait.ge [sflag:s23], $0x1  }
0xa5: {  	[sflag:s23] =	ssyncset.done $0x0  }
0xa6: {  	s25 =	simm.s32 $0x1B8E;
	s24 =	sld [smem:$0x3FFE];
	[sflag:s23] =	ssyncadd.s32 $0xFFFFFFFF  }
0xa7: {  	s26 =	simm.s32 $execute0_lowered;
	[smem:$0x3FD2] =	sst s25  }
0xa8: {  	s7 =	sshll.u32 s26, $0x1;
	_ =	strace $0x80000046;
	[dreg:$0x1] =	wrdreg $0xFFFFFFFF  }
0xa9: {  	s28 =	simm.s32 $_size_execute0_lowered;
	s5 =	sadd.s32 s5, s7;
	[dreg:$0x0] =	wrdreg $0x0  }
0xaa: {  	s7 =	sshll.u32 s28, $0x1;
	[dreg:$0x2] =	wrdreg s5  }
0xab: {  	[dreg:$0x3] =	wrdreg s7  }
0xac: {  	[dreg:$0x4] =	wrdreg $0xC0  }
0xad: {  	_ =	task [dreg:s9], $0x5FFFF  }
0xae: {  	[dreg:$0x1] =	wrdreg $0xFFFFFFFF  }
0xaf: {  	[dreg:$0x0] =	wrdreg $0x60  }
0xb0: {  	[dreg:$0x2] =	wrdreg s18  }
0xb1: {  	[dreg:$0x3] =	wrdreg s4  }
0xb2: {  	[dreg:$0x4] =	wrdreg s2  }
0xb3: {  	[dreg:$0x5] =	wrdreg s24  }
0xb4: {  	[dreg:$0x6] =	wrdreg $0x9  }
0xb5: {  	_ =	task.clear_ibuf [dreg:s9], $0x7FFFF;
	_ =	strace $0x90000046  }
0xb6: {  	s29 =	simm.s32 $0x9;
	_ =	strace $0x80000048  }
0xb7: {  	_ =	swait.ge [sflag:s29], $0x1  }
0xb8: {  	[sflag:s29] =	ssyncadd.s32 $0xFFFFFFFF  }
0xb9: {  	_ =	strace $0x90000048  }
0xba: {  	_ =	sfence  }
0xbb: {  	s30 =	sld [smem:$0x0];
	_ =	sdelay $0x2  }
0xbc: {  	s31 =	sshll.u32 s1, $0xD;
	s1 =	sshrl.u32 s1, $0x2  }
0xbd: {  	s3 =	sand.u32 $0x4000, s31;
	s1 =	sadd.s32 s1, s30  }
0xbe: {  	s0 =	sor.u32 s3, s0;
	s1 =	sshll.u32 s1, $0x11  }
0xbf: {  	s0 =	sor.u32 s1, s0  }
0xc0: {  	s0 =	sadd.s32 $0x8F2B, s0  }
0xc1: {  	[sflag:s0] =	ssyncadd.remote.s32 $0x1  }
0xc2: {  	_ =	sfence.sel $0xFFFF  }
0xc3: {  	[dreg:$0x0] =	wrdreg $0xFFFFFFFF;
	(pc) =	sbr.abs _section_cstart, $3  }
0xc4: {  	[dreg:$0x1] =	wrdreg $0xFFFFFFFF  }
0xc5: {  	_ =	task.clear_ibuf [dreg:s9], $0x2FFFF;
	_ =	strace $0x9FFFFFFF  }
0xc6: {  	(tm) =	ssettm $0x7FFFFFFF  }
0xc7: {  	_ =	shalt  }
tec
execute0_lowered:
.L_overlay_start_1:
0x0: {  	(tag) =	ssettag $0x1  }
0x1: {  	s1 =	rddreg [dreg:$0x0]  }
0x2: {  	s2 =	rddreg [dreg:$0x1]  }
0x3: {  	s0 =	rddreg [dreg:$0x2]  }
0x4: {  	s5 =	rddreg [dreg:$0x3];
	s3 =	simm.s32 $0x0  }
0x5: {  	s4 =	srdreg.scid;
	s28 =	simm.s32 $0x19640;
	s29 =	simm.s32 $0x16760  }
0x6: {  	s30 =	simm.s32 $0x1A5E0;
	s13 =	simm.s32 $0x5;
	s6 =	sand.u32 $0x1, s4  }
0x7: {  	s12 =	simm.s32 $0x0;
	[smem:$0x7FF] =	sst s3;
	s8 =	smul.u32 $0x1388000, s6  }
0x8: {  	s4 =	stileid.u32;
	_ =	strace $0x80000047;
	s10 =	smul.u32 $0x271000, s6  }
0x9: {  	s7 =	ssub.s32 $0x2, s6;
	s5 =	sadd.s32 s4, s5;
	s19 =	smul.u32 $0x27100, s6  }
0xa: {  	s0 =	sadd.s32 s0, s4;
	p0 =	sne.s32 s6, $0x0;
	s9 =	sshrl.u32 s7, $0x1  }
0xb: {  	s6 =	simm.s32 $0x6;
	[dreg:$0xd] =	wrdreg s0;
	s7 =	ssub.s32 s7, s9  }
0xc: {  	s8 =	sshrl.u32 s8, $0x3;
	s10 =	sor.u32 s4, s10;
	s14 =	sadd.s32 $0x7D0, s19  }
0xd: {  	s15 =	sadd.s32 $0x9C4, s19;
	s25 =	sadd.s32 s19, s5;
	s16 =	sadd.s32 $0xBB8, s19  }
0xe: {  	s26 =	sadd.s32 $0xDAC, s19;
	s5 =	simm.s32 $0x2;
	s9 =	simm.s32 $0x4  }
0xf: {  	s8 =	sor.u32 s4, s8;
	s11 =	sadd.s32 s1, s10;
	[dreg:$0xe] =	wrdreg s26  }
0x10: {  	s10 =	sadd.s32 s2, s10;
	s0 =	sadd.s32 $0x600, s25;
	[dreg:$0x5] =	wrdreg s11  }
0x11: {  	s31 =	smax.u32 s7, $0x1;
	s25 =	simm.s32 $0x186A0;
	[dreg:$0x6] =	wrdreg s10  }
0x12: {  	s26 =	simm.s32 $0x157C0;
	s20 =	sadd.s32 $0x1F40, s8;
	[dreg:$0xf] =	wrdreg s0  }
0x13: {  	s7 =	simm.s32 $0x3;
	[dreg:$0x10] =	wrdreg s31;
	s21 =	sadd.s32 s1, s20  }
0x14: {  	s22 =	sadd.s32 $0x3E80, s8;
	s10 =	sadd.s32 s2, s20;
	[dreg:$0x7] =	wrdreg s21  }
0x15: {  	s8 =	sadd.s32 $0x5DC0, s8;
	s23 =	sadd.s32 s1, s22;
	[dreg:$0x8] =	wrdreg s10  }
.Ltmp0:
0x16: {  	s24 =	sadd.s32 s1, s8;
	[dreg:$0x9] =	wrdreg s23;
	(pc) =	sbr.rel .LBB2_1-.Ltmp0, $4  }
0x17: {  	s0 =	simm.s32 $0x1;
	s8 =	sadd.s32 s2, s8;
	[dreg:$0xb] =	wrdreg s24  }
0x18: {  	v1 =	vlaneseq.u32;
	s20 =	simm.s32 $0x8;
	s10 =	sadd.s32 s2, s22;
	[dreg:$0xc] =	wrdreg s8  }
0x19: {  	v0 =	vshrl.u32 v1, $0x3;
	s21 =	simm.s32 $0x80;
	s22 =	simm.s32 $0x13880;
	s23 =	simm.s32 $0x17700  }
0x1a: {  	v2 =	vimm.f32 $0.0e+00;
	v1 =	vand.u32 $0x7, v1;
	v0 =	vmul.u32 $0x8, v0;
	s24 =	simm.s32 $0x14820;
	s8 =	simm.s32 $0x7;
	[dreg:$0xa] =	wrdreg s10  }
.LBB2_25:
0x1b: {  	s10 =	rddreg [dreg:$0xf];
	s11 =	simm.s32 $0x9  }
0x1c: {  	[hbm4b:s10+s20] =	stream.strided.scatter [tilespmem:s3], [sflag:$0x9], $0x13880, s21, s20, $0x38;
	[tilespmem:$0x1B580] =	vst v63  }
0x1d: {  	_ =	swait.ge [sflag:s11], $0x13880  }
0x1e: {  	s12 =	rddreg [dreg:$0x11]  }
0x1f: {  	s31 =	rddreg [dreg:$0x10];
	s12 =	sadd.s32 $0x1, s12  }
0x20: {  	p1 =	sne.s32 s12, s31  }
.Ltmp1:
0x21: {  	_ = 	snop;
	(pc) =	sbr.rel @!p1 .LBB2_26-.Ltmp1, $3  }
0x22: {  	_ =	sdelay $0x1  }
0x23: {  	[sflag:s11] =	ssyncset.done $0x0  }
0x24: {  	[sflag:s11] =	ssyncadd.s32 $0xFFFEC780  }
.LBB2_1:
0x25: {  	s10 =	rddreg [dreg:$0x5]  }
0x26: {  	[tilespmem:s22], [sflag:$0x1] =	stream.strided.gather [hbm4b:s10+s20], $0xFA0, s21, s20, $0x38;
	[tilespmem:$0x1B580] =	vst v63  }
0x27: {  	s19 =	rddreg [dreg:$0x6]  }
0x28: {  	[tilespmem:s23], [sflag:$0x5] =	stream.strided.gather [hbm4b:s19+s20], $0xFA0, s21, s20, $0x38;
	[tilespmem:$0x1B580] =	vst v63  }
0x29: {  	s31 =	rddreg [dreg:$0x7]  }
0x2a: {  	[tilespmem:s24], [sflag:$0x2] =	stream.strided.gather [hbm4b:s31+s20], $0xFA0, s21, s20, $0x38;
	[tilespmem:$0x1B580] =	vst v63  }
0x2b: {  	s11 =	rddreg [dreg:$0x8]  }
0x2c: {  	[tilespmem:s25], [sflag:$0x6] =	stream.strided.gather [hbm4b:s11+s20], $0xFA0, s21, s20, $0x38;
	[tilespmem:$0x1B580] =	vst v63  }
0x2d: {  	s17 =	rddreg [dreg:$0x9]  }
0x2e: {  	[tilespmem:s26], [sflag:$0x3] =	stream.strided.gather [hbm4b:s17+s20], $0xFA0, s21, s20, $0x38;
	[tilespmem:$0x1B580] =	vst v63  }
0x2f: {  	s18 =	rddreg [dreg:$0xa]  }
0x30: {  	[tilespmem:s28], [sflag:$0x7] =	stream.strided.gather [hbm4b:s18+s20], $0xFA0, s21, s20, $0x38;
	[tilespmem:$0x1B580] =	vst v63  }
.Ltmp2:
0x31: {  	[dreg:$0x11] =	wrdreg s12;
	(pc) =	sbr.rel @p0 .LBB2_3-.Ltmp2, $4  }
0x32: {  	s19 =	rddreg [dreg:$0xb]  }
0x33: {  	[tilespmem:s29], [sflag:$0x4] =	stream.strided.gather [hbm4b:s19+s20], $0xFA0, s21, s20, $0x38;
	[tilespmem:$0x1B580] =	vst v63  }
0x34: {  	s31 =	rddreg [dreg:$0xc]  }
0x35: {  	[tilespmem:s30], [sflag:$0x8] =	stream.strided.gather [hbm4b:s31+s20], $0xFA0, s21, s20, $0x38;
	[tilespmem:$0x1B580] =	vst v63  }
.Ltmp3:
0x36: {  	s10 =	rddreg [dreg:$0xd];
	s31 =	simm.s32 $0x9;
	(pc) =	sbr.rel .LBB2_6-.Ltmp3, $4  }
0x37: {  	[tilespmem:s3], [sflag:$0x9] =	stream.strided.gather [hbm4b:s10+s20], $0x13880, s21, s20, $0x38;
	[tilespmem:$0x1B580] =	vst v63  }
0x38: {  	_ =	swait.ge [sflag:s31], $0x13880  }
0x39: {  	[sflag:s31] =	ssyncset.done $0x0  }
0x3a: {  	[sflag:s31] =	ssyncadd.s32 $0xFFFEC780  }
.LBB2_3:
0x3b: {  	v3 =	vmov s3  }
0x3c: {  	v3 =	vshll.u32 v3, $0x3  }
0x3d: {  	v3 =	vor.u32 v0, v3  }
0x3e: {  	s11 =	sadd.s32 $0x2, s3;
	v3 =	vor.u32 v1, v3  }
.LBB2_4:
0x3f: {  	p1 =	sne.s32 s11, $0x270E  }
.Ltmp4:
0x40: {  	_ = 	snop;
	(pc) =	sbr.rel @p1 .LBB2_4-.Ltmp4, $4  }
0x41: {  	v4 =	vmov s11  }
0x42: {  	v4 =	vshll.u32 v4, $0x3  }
0x43: {  	v4 =	vor.u32 v0, v4  }
0x44: {  	s11 =	sadd.s32 $0x2, s11;
	[tilespmem:v3+s3+$0x0] =	vst.idx.msk $0xffff, v2;
	v3 =	vor.u32 v1, v4  }
0x45: {  	_ =	sdelay $0x3  }
0x46: {  	[tilespmem:v3+s3+$0x0] =	vst.idx.msk $0xffff, v2  }
.LBB2_6:
0x47: {  	s11 =	simm.s32 $0x0  }
.LBB2_7:
0x48: {  	s12 =	simm.s32 $0x8  }
0x49: {  	s18 =	simm.s32 $0x2;
	v3 =	vmov s12  }
0x4a: {  	v4 =	vmov s18;
	v3 =	vshll.u32 v3, $0x3  }
0x4b: {  	_ =	swait.ge [sflag:s0], $0xFA0;
	v4 =	vshll.u32 v4, $0x3;
	v3 =	vor.u32 v0, v3  }
0x4c: {  	s31 =	simm.s32 $0x4;
	[sflag:s0] =	ssyncset.done $0x0;
	v4 =	vor.u32 v0, v4;
	v5 =	vor.u32 v1, v3  }
0x4d: {  	s19 =	simm.s32 $0xC;
	v6 =	vmov s31;
	[sflag:s0] =	ssyncadd.s32 $0xFFFFF060;
	v4 =	vor.u32 v1, v4  }
0x4e: {  	v6 =	vshll.u32 v6, $0x3;
	_ =	swait.ge [sflag:s13], $0xFA0;
	v3 =	vmov s19  }
0x4f: {  	v6 =	vor.u32 v0, v6;
	[sflag:s13] =	ssyncset.done $0x0;
	v3 =	vshll.u32 v3, $0x3  }
0x50: {  	v6 =	vor.u32 v1, v6;
	[sflag:s13] =	ssyncadd.s32 $0xFFFFF060;
	v3 =	vor.u32 v0, v3  }
0x51: {  	s10 =	simm.s32 $0xE;
	s17 =	simm.s32 $0x0;
	v8 =	vor.u32 v1, v3;
	v3 =	vld.idx.msk [tilespmem:v5+s23+$0x0], $0xffff  }
0x52: {  	v7 =	vmov s10;
	v9 =	vmov s17;
	v15 =	vld.idx.msk [tilespmem:v4+s22+$0x0], $0xffff  }
0x53: {  	s31 =	simm.s32 $0xA;
	v7 =	vshll.u32 v7, $0x3;
	v9 =	vshll.u32 v9, $0x3;
	v12 =	vld.idx.msk [tilespmem:v5+s22+$0x0], $0xffff  }
0x54: {  	v11 =	vmov s31;
	v9 =	vor.u32 v0, v9;
	s19 =	simm.s32 $0x6;
	v5 =	vor.u32 v0, v7;
	v7 =	vld.idx.msk [tilespmem:v4+s23+$0x0], $0xffff  }
0x55: {  	v13 =	vshll.u32 v11, $0x3;
	v4 =	vor.u32 v1, v9;
	v9 =	vmov s19;
	v11 =	vld.idx.msk [tilespmem:v6+s22+$0x0], $0xffff  }
0x56: {  	v10 =	vor.u32 v1, v5;
	v9 =	vshll.u32 v9, $0x3;
	v17 =	vld.idx.msk [tilespmem:v8+s22+$0x0], $0xffff  }
0x57: {  	v13 =	vor.u32 v0, v13;
	v5 =	vld.idx.msk [tilespmem:v6+s23+$0x0], $0xffff;
	v6 =	vor.u32 v0, v9  }
0x58: {  	v9 =	vld.idx.msk [tilespmem:v8+s23+$0x0], $0xffff;
	v8 =	vor.u32 v1, v6;
	v6 =	vor.u32 v1, v13  }
0x59: {  	v14 =	vshll.u32 v12, $0x3  }
0x5a: {  	v13 =	vld.idx.msk [tilespmem:v4+s22+$0x0], $0xffff;
	v14 =	vor.u32 v1, v14  }
0x5b: {  	s18 =	simm.s32 $0x0;
	s12 =	simm.s32 $0x1F0;
	s19 =	simm.s32 $0x1E;
	v16 =	vshll.u32 v15, $0x3;
	v12 =	vld.idx.msk [tilespmem:v10+s22+$0x0], $0xffff;
	v15 =	vshll.u32 v17, $0x3  }
.LBB2_8:
0x5c: {  	s31 =	sadd.s32 $0xFFFFFFF2, s19;
	s10 =	sadd.s32 $0xFFFFFFF6, s19;
	s17 =	sadd.s32 $0xFFFFFFFA, s19;
	v17 =	vmov s19;
	v16 =	vor.u32 v1, v16;
	v15 =	vor.u32 v1, v15;
	v18 =	vld.idx.msk [tilespmem:v10+s23+$0x0], $0xffff  }
0x5d: {  	v10 =	vmov s31;
	s31 =	sadd.s32 $0xFFFFFFF4, s19;
	v19 =	vmov s10;
	s10 =	sadd.s32 $0xFFFFFFF8, s19;
	v20 =	vmov s17;
	s17 =	sadd.s32 $0xFFFFFFFE, s19;
	v21 =	vld.idx.msk [tilespmem:v6+s22+$0x0], $0xffff  }
0x5e: {  	s18 =	sadd.s32 $0x8, s18;
	v11 =	vshll.u32 v11, $0x3;
	v22 =	vmov s31;
	v20 =	vshll.u32 v20, $0x3;
	s31 =	sadd.s32 $0xFFFFFFFC, s19;
	v23 =	vld.idx.msk [tilespmem:v8+s23+$0x0], $0xffff  }
0x5f: {  	p1 =	slt.u32 s18, $0xF0;
	v11 =	vor.u32 v1, v11;
	v22 =	vshll.u32 v22, $0x3;
	v20 =	vor.u32 v0, v20;
	[tilespmem:v14+s3+$0x0] =	vst.idx.add.f32.msk $0xffff, v3  }
0x60: {  	v12 =	vshll.u32 v12, $0x3;
	v3 =	vor.u32 v0, v22;
	v14 =	vor.u32 v1, v20;
	v20 =	vld.idx.msk [tilespmem:v8+s22+$0x0], $0xffff  }
0x61: {  	v17 =	vshll.u32 v17, $0x3;
	v13 =	vshll.u32 v13, $0x3;
	v22 =	vor.u32 v1, v3;
	[tilespmem:v16+s3+$0x0] =	vst.idx.add.f32.msk $0xffff, v7  }
0x62: {  	v3 =	vshll.u32 v10, $0x3;
	v7 =	vmov s10;
	v10 =	vmov s31;
	[tilespmem:v15+s3+$0x0] =	vst.idx.add.f32.msk $0xffff, v9  }
0x63: {  	v8 =	vmov s17;
	v9 =	vor.u32 v0, v3;
	v3 =	vshll.u32 v19, $0x3;
	v15 =	vld.idx.msk [tilespmem:v4+s23+$0x0], $0xffff  }
0x64: {  	v3 =	vor.u32 v0, v3;
	v4 =	vshll.u32 v7, $0x3;
	v7 =	vshll.u32 v8, $0x3;
	[tilespmem:v11+s3+$0x0] =	vst.idx.add.f32.msk $0xffff, v5  }
0x65: {  	v16 =	vshll.u32 v21, $0x3;
	v11 =	vor.u32 v1, v3;
	v4 =	vor.u32 v0, v4;
	v3 =	vld.idx.msk [tilespmem:v14+s23+$0x0], $0xffff  }
0x66: {  	v8 =	vor.u32 v1, v4;
	v4 =	vor.u32 v0, v7;
	v5 =	vshll.u32 v20, $0x3;
	v19 =	vld.idx.msk [tilespmem:v22+s22+$0x0], $0xffff  }
0x67: {  	v20 =	vshll.u32 v10, $0x3;
	v7 =	vor.u32 v0, v17;
	v21 =	vor.u32 v1, v4;
	v14 =	vld.idx.msk [tilespmem:v14+s22+$0x0], $0xffff  }
0x68: {  	v4 =	vor.u32 v1, v9;
	v10 =	vor.u32 v1, v7;
	v17 =	vld.idx.msk [tilespmem:v6+s23+$0x0], $0xffff;
	v6 =	vor.u32 v1, v12  }
0x69: {  	v9 =	vor.u32 v1, v13;
	v13 =	vor.u32 v1, v5;
	v12 =	vor.u32 v0, v20;
	v7 =	vld.idx.msk [tilespmem:v22+s23+$0x0], $0xffff  }
0x6a: {  	v5 =	vld.idx.msk [tilespmem:v11+s23+$0x0], $0xffff  }
0x6b: {  	v11 =	vld.idx.msk [tilespmem:v11+s22+$0x0], $0xffff  }
0x6c: {  	v16 =	vor.u32 v1, v16;
	v20 =	vld.idx.msk [tilespmem:v21+s22+$0x0], $0xffff  }
0x6d: {  	v14 =	vshll.u32 v14, $0x3;
	[tilespmem:v6+s3+$0x0] =	vst.idx.add.f32.msk $0xffff, v18  }
0x6e: {  	[tilespmem:v9+s3+$0x0] =	vst.idx.add.f32.msk $0xffff, v15  }
.Ltmp5:
0x6f: {  	v9 =	vld.idx.msk [tilespmem:v21+s23+$0x0], $0xffff;
	(pc) =	sbr.rel @p1 .LBB2_8-.Ltmp5, $4  }
0x70: {  	v6 =	vor.u32 v1, v12;
	[tilespmem:v13+s3+$0x0] =	vst.idx.add.f32.msk $0xffff, v23  }
0x71: {  	[tilespmem:v16+s3+$0x0] =	vst.idx.add.f32.msk $0xffff, v17  }
0x72: {  	v14 =	vor.u32 v1, v14;
	v12 =	vld.idx.msk [tilespmem:v10+s22+$0x0], $0xffff  }
0x73: {  	s19 =	sadd.s32 $0x10, s19;
	v16 =	vshll.u32 v19, $0x3;
	v15 =	vshll.u32 v20, $0x3;
	v13 =	vld.idx.msk [tilespmem:v4+s22+$0x0], $0xffff  }
0x74: {  	_ =	sdelay $0x3  }
0x75: {  	v10 =	vld.idx.msk [tilespmem:v10+s23+$0x0], $0xffff  }
0x76: {  	v17 =	vld.idx.msk [tilespmem:v8+s22+$0x0], $0xffff  }
0x77: {  	v16 =	vor.u32 v1, v16;
	v18 =	vld.idx.msk [tilespmem:v6+s22+$0x0], $0xffff  }
0x78: {  	v15 =	vor.u32 v1, v15;
	v11 =	vshll.u32 v11, $0x3;
	v59 =	vld.idx.msk [tilespmem:v8+s23+$0x0], $0xffff  }
0x79: {  	[tilespmem:v14+s3+$0x0] =	vst.idx.add.f32.msk $0xffff, v3;
	v11 =	vor.u32 v1, v11;
	v3 =	vshll.u32 v12, $0x3  }
0x7a: {  	v4 =	vld.idx.msk [tilespmem:v4+s23+$0x0], $0xffff;
	v60 =	vshll.u32 v13, $0x3;
	v3 =	vor.u32 v1, v3  }
0x7b: {  	v63 =	vld.idx.msk [tilespmem:v6+s23+$0x0], $0xffff;
	v61 =	vshll.u32 v17, $0x3;
	v12 =	vor.u32 v1, v60  }
0x7c: {  	[tilespmem:v16+s3+$0x0] =	vst.idx.add.f32.msk $0xffff, v7;
	v62 =	vshll.u32 v18, $0x3;
	v7 =	vor.u32 v1, v61  }
0x7d: {  	[tilespmem:v15+s3+$0x0] =	vst.idx.add.f32.msk $0xffff, v9;
	v9 =	vor.u32 v1, v62  }
0x7e: {  	[tilespmem:v11+s3+$0x0] =	vst.idx.add.f32.msk $0xffff, v5  }
0x7f: {  	[tilespmem:v3+s3+$0x0] =	vst.idx.add.f32.msk $0xffff, v10  }
0x80: {  	[tilespmem:v12+s3+$0x0] =	vst.idx.add.f32.msk $0xffff, v4  }
0x81: {  	[tilespmem:v7+s3+$0x0] =	vst.idx.add.f32.msk $0xffff, v59  }
0x82: {  	[tilespmem:v9+s3+$0x0] =	vst.idx.add.f32.msk $0xffff, v63  }
.LBB2_10:
0x83: {  	v3 =	vmov s12  }
0x84: {  	v3 =	vshll.u32 v3, $0x3  }
0x85: {  	v3 =	vor.u32 v0, v3  }
0x86: {  	v3 =	vor.u32 v1, v3;
	_ =	sdelay $0x4  }
0x87: {  	v4 =	vld.idx.msk [tilespmem:v3+s22+$0x0], $0xffff;
	_ =	sdelay $0x4  }
0x88: {  	v4 =	vshll.u32 v4, $0x3  }
0x89: {  	p1 =	sne.s32 s12, $0x1F2;
	v3 =	vld.idx.msk [tilespmem:v3+s23+$0x0], $0xffff;
	v4 =	vor.u32 v1, v4  }
.Ltmp6:
0x8a: {  	_ = 	snop;
	(pc) =	sbr.rel @p1 .LBB2_10-.Ltmp6, $2  }
0x8b: {  	_ =	sdelay $0x2  }
0x8c: {  	s12 =	sadd.s32 $0x2, s12;
	[tilespmem:v4+s3+$0x0] =	vst.idx.add.f32.msk $0xffff, v3  }
0x8d: {  	p1 =	seq.s32 s11, $0x4F  }
0x8e: {  	s12 =	smul.u32 @!p1 $0x7D0, s11;
	_ =	sdelay $0x1  }
0x8f: {  	s10 =	sadd.s32 @!p1 s12, s14  }
0x90: {  	s10 =	sshll.u32 @!p1 s10, $0x4  }
0x91: {  	s18 =	simm.s32 @!p1 $0x8;
	s10 =	sor.u32 @!p1 s4, s10  }
0x92: {  	s19 =	simm.s32 @!p1 $0x80;
	s31 =	simm.s32 @!p1 $0x13880;
	s17 =	sadd.s32 @!p1 s1, s10  }
0x93: {  	[tilespmem:s31], [sflag:$0x1] =	stream.strided.gather @!p1 [hbm4b:s17+s18], $0xFA0, s19, s18, $0x38;
	[tilespmem:$0x1B580] =	vst v63  }
0x94: {  	s17 =	simm.s32 $0x8  }
0x95: {  	s10 =	sadd.s32 @!p1 s2, s10;
	s31 =	simm.s32 @!p1 $0x17700;
	v3 =	vmov s17;
	s17 =	simm.s32 $0x2  }
0x96: {  	[tilespmem:s31], [sflag:$0x5] =	stream.strided.gather @!p1 [hbm4b:s10+s18], $0xFA0, s19, s18, $0x38;
	v3 =	vshll.u32 v3, $0x3;
	[tilespmem:$0x1B580] =	vst v63  }
0x97: {  	v4 =	vmov s17;
	_ =	swait.ge [sflag:s5], $0xFA0;
	v3 =	vor.u32 v0, v3  }
0x98: {  	s31 =	simm.s32 $0x4;
	v4 =	vshll.u32 v4, $0x3;
	[sflag:s5] =	ssyncset.done $0x0;
	v5 =	vor.u32 v1, v3  }
0x99: {  	s19 =	simm.s32 $0xC;
	v6 =	vmov s31;
	v4 =	vor.u32 v0, v4;
	[sflag:s5] =	ssyncadd.s32 $0xFFFFF060  }
0x9a: {  	v3 =	vmov s19;
	v6 =	vshll.u32 v6, $0x3;
	v4 =	vor.u32 v1, v4;
	_ =	swait.ge [sflag:s6], $0xFA0  }
0x9b: {  	v3 =	vshll.u32 v3, $0x3;
	v6 =	vor.u32 v0, v6;
	[sflag:s6] =	ssyncset.done $0x0  }
0x9c: {  	v3 =	vor.u32 v0, v3;
	v6 =	vor.u32 v1, v6;
	[sflag:s6] =	ssyncadd.s32 $0xFFFFF060  }
0x9d: {  	s17 =	simm.s32 $0xE;
	s18 =	simm.s32 $0x0;
	v8 =	vor.u32 v1, v3;
	v3 =	vld.idx.msk [tilespmem:v5+s25+$0x0], $0xffff  }
0x9e: {  	v7 =	vmov s17;
	v9 =	vmov s18;
	v12 =	vld.idx.msk [tilespmem:v5+s24+$0x0], $0xffff  }
0x9f: {  	s31 =	simm.s32 $0xA;
	v7 =	vshll.u32 v7, $0x3;
	v9 =	vshll.u32 v9, $0x3;
	v15 =	vld.idx.msk [tilespmem:v4+s24+$0x0], $0xffff  }
0xa0: {  	s19 =	simm.s32 $0x6;
	v11 =	vmov s31;
	v9 =	vor.u32 v0, v9;
	v5 =	vor.u32 v0, v7;
	v7 =	vld.idx.msk [tilespmem:v4+s25+$0x0], $0xffff  }
0xa1: {  	v10 =	vor.u32 v1, v5;
	v4 =	vor.u32 v1, v9;
	v9 =	vmov s19;
	v5 =	vld.idx.msk [tilespmem:v6+s25+$0x0], $0xffff  }
0xa2: {  	v13 =	vshll.u32 v11, $0x3;
	v9 =	vshll.u32 v9, $0x3;
	v17 =	vld.idx.msk [tilespmem:v8+s24+$0x0], $0xffff  }
0xa3: {  	v13 =	vor.u32 v0, v13;
	v11 =	vld.idx.msk [tilespmem:v6+s24+$0x0], $0xffff;
	v6 =	vor.u32 v0, v9  }
0xa4: {  	v9 =	vld.idx.msk [tilespmem:v8+s25+$0x0], $0xffff;
	v8 =	vor.u32 v1, v6;
	v6 =	vor.u32 v1, v13  }
0xa5: {  	v14 =	vshll.u32 v12, $0x3  }
0xa6: {  	v12 =	vld.idx.msk [tilespmem:v10+s24+$0x0], $0xffff;
	v14 =	vor.u32 v1, v14  }
0xa7: {  	s18 =	simm.s32 $0x0;
	s19 =	simm.s32 $0x1E;
	v13 =	vld.idx.msk [tilespmem:v4+s24+$0x0], $0xffff;
	v16 =	vshll.u32 v15, $0x3;
	v15 =	vshll.u32 v17, $0x3  }
.LBB2_12:
0xa8: {  	s10 =	sadd.s32 $0xFFFFFFF2, s19;
	s17 =	sadd.s32 $0xFFFFFFF6, s19;
	s31 =	sadd.s32 $0xFFFFFFFA, s19;
	v17 =	vmov s19;
	v16 =	vor.u32 v1, v16;
	v15 =	vor.u32 v1, v15;
	v18 =	vld.idx.msk [tilespmem:v10+s25+$0x0], $0xffff  }
0xa9: {  	v10 =	vmov s10;
	s10 =	sadd.s32 $0xFFFFFFF4, s19;
	v19 =	vmov s17;
	s17 =	sadd.s32 $0xFFFFFFF8, s19;
	v20 =	vmov s31;
	s31 =	sadd.s32 $0xFFFFFFFE, s19;
	v21 =	vld.idx.msk [tilespmem:v6+s24+$0x0], $0xffff  }
0xaa: {  	s18 =	sadd.s32 $0x8, s18;
	v11 =	vshll.u32 v11, $0x3;
	v22 =	vmov s10;
	v20 =	vshll.u32 v20, $0x3;
	s10 =	sadd.s32 $0xFFFFFFFC, s19;
	v23 =	vld.idx.msk [tilespmem:v8+s25+$0x0], $0xffff  }
0xab: {  	p2 =	slt.u32 s18, $0xF0;
	v11 =	vor.u32 v1, v11;
	v22 =	vshll.u32 v22, $0x3;
	v20 =	vor.u32 v0, v20;
	[tilespmem:v14+s3+$0x0] =	vst.idx.add.f32.msk $0xffff, v3  }
0xac: {  	v12 =	vshll.u32 v12, $0x3;
	v3 =	vor.u32 v0, v22;
	v14 =	vor.u32 v1, v20;
	v20 =	vld.idx.msk [tilespmem:v8+s24+$0x0], $0xffff  }
0xad: {  	v17 =	vshll.u32 v17, $0x3;
	v13 =	vshll.u32 v13, $0x3;
	v22 =	vor.u32 v1, v3;
	[tilespmem:v16+s3+$0x0] =	vst.idx.add.f32.msk $0xffff, v7  }
0xae: {  	v3 =	vshll.u32 v10, $0x3;
	v7 =	vmov s17;
	v10 =	vmov s10;
	[tilespmem:v15+s3+$0x0] =	vst.idx.add.f32.msk $0xffff, v9  }
0xaf: {  	v8 =	vmov s31;
	v9 =	vor.u32 v0, v3;
	v3 =	vshll.u32 v19, $0x3;
	v15 =	vld.idx.msk [tilespmem:v4+s25+$0x0], $0xffff  }
0xb0: {  	v3 =	vor.u32 v0, v3;
	v4 =	vshll.u32 v7, $0x3;
	v7 =	vshll.u32 v8, $0x3;
	[tilespmem:v11+s3+$0x0] =	vst.idx.add.f32.msk $0xffff, v5  }
0xb1: {  	v16 =	vshll.u32 v21, $0x3;
	v11 =	vor.u32 v1, v3;
	v4 =	vor.u32 v0, v4;
	v3 =	vld.idx.msk [tilespmem:v14+s25+$0x0], $0xffff  }
0xb2: {  	v8 =	vor.u32 v1, v4;
	v4 =	vor.u32 v0, v7;
	v5 =	vshll.u32 v20, $0x3;
	v19 =	vld.idx.msk [tilespmem:v22+s24+$0x0], $0xffff  }
0xb3: {  	v20 =	vshll.u32 v10, $0x3;
	v7 =	vor.u32 v0, v17;
	v21 =	vor.u32 v1, v4;
	v14 =	vld.idx.msk [tilespmem:v14+s24+$0x0], $0xffff  }
0xb4: {  	v4 =	vor.u32 v1, v9;
	v10 =	vor.u32 v1, v7;
	v17 =	vld.idx.msk [tilespmem:v6+s25+$0x0], $0xffff;
	v6 =	vor.u32 v1, v12  }
0xb5: {  	v9 =	vor.u32 v1, v13;
	v13 =	vor.u32 v1, v5;
	v12 =	vor.u32 v0, v20;
	v7 =	vld.idx.msk [tilespmem:v22+s25+$0x0], $0xffff  }
0xb6: {  	v5 =	vld.idx.msk [tilespmem:v11+s25+$0x0], $0xffff  }
0xb7: {  	v11 =	vld.idx.msk [tilespmem:v11+s24+$0x0], $0xffff  }
0xb8: {  	v16 =	vor.u32 v1, v16;
	v20 =	vld.idx.msk [tilespmem:v21+s24+$0x0], $0xffff  }
0xb9: {  	v14 =	vshll.u32 v14, $0x3;
	[tilespmem:v6+s3+$0x0] =	vst.idx.add.f32.msk $0xffff, v18  }
0xba: {  	[tilespmem:v9+s3+$0x0] =	vst.idx.add.f32.msk $0xffff, v15  }
.Ltmp7:
0xbb: {  	v9 =	vld.idx.msk [tilespmem:v21+s25+$0x0], $0xffff;
	(pc) =	sbr.rel @p2 .LBB2_12-.Ltmp7, $4  }
0xbc: {  	v6 =	vor.u32 v1, v12;
	[tilespmem:v13+s3+$0x0] =	vst.idx.add.f32.msk $0xffff, v23  }
0xbd: {  	[tilespmem:v16+s3+$0x0] =	vst.idx.add.f32.msk $0xffff, v17  }
0xbe: {  	v14 =	vor.u32 v1, v14;
	v12 =	vld.idx.msk [tilespmem:v10+s24+$0x0], $0xffff  }
0xbf: {  	s19 =	sadd.s32 $0x10, s19;
	s31 =	simm.s32 $0x1F0;
	v16 =	vshll.u32 v19, $0x3;
	v15 =	vshll.u32 v20, $0x3;
	v13 =	vld.idx.msk [tilespmem:v4+s24+$0x0], $0xffff  }
0xc0: {  	_ =	sdelay $0x3  }
0xc1: {  	v10 =	vld.idx.msk [tilespmem:v10+s25+$0x0], $0xffff  }
0xc2: {  	v17 =	vld.idx.msk [tilespmem:v8+s24+$0x0], $0xffff  }
0xc3: {  	v16 =	vor.u32 v1, v16;
	v18 =	vld.idx.msk [tilespmem:v6+s24+$0x0], $0xffff  }
0xc4: {  	v15 =	vor.u32 v1, v15;
	v11 =	vshll.u32 v11, $0x3;
	v59 =	vld.idx.msk [tilespmem:v8+s25+$0x0], $0xffff  }
0xc5: {  	[tilespmem:v14+s3+$0x0] =	vst.idx.add.f32.msk $0xffff, v3;
	v11 =	vor.u32 v1, v11;
	v3 =	vshll.u32 v12, $0x3  }
0xc6: {  	v4 =	vld.idx.msk [tilespmem:v4+s25+$0x0], $0xffff;
	v60 =	vshll.u32 v13, $0x3;
	v3 =	vor.u32 v1, v3  }
0xc7: {  	v63 =	vld.idx.msk [tilespmem:v6+s25+$0x0], $0xffff;
	v61 =	vshll.u32 v17, $0x3;
	v12 =	vor.u32 v1, v60  }
0xc8: {  	[tilespmem:v16+s3+$0x0] =	vst.idx.add.f32.msk $0xffff, v7;
	v62 =	vshll.u32 v18, $0x3;
	v7 =	vor.u32 v1, v61  }
0xc9: {  	[tilespmem:v15+s3+$0x0] =	vst.idx.add.f32.msk $0xffff, v9;
	v9 =	vor.u32 v1, v62  }
0xca: {  	[tilespmem:v11+s3+$0x0] =	vst.idx.add.f32.msk $0xffff, v5  }
0xcb: {  	[tilespmem:v3+s3+$0x0] =	vst.idx.add.f32.msk $0xffff, v10  }
0xcc: {  	[tilespmem:v12+s3+$0x0] =	vst.idx.add.f32.msk $0xffff, v4  }
0xcd: {  	[tilespmem:v7+s3+$0x0] =	vst.idx.add.f32.msk $0xffff, v59  }
0xce: {  	[tilespmem:v9+s3+$0x0] =	vst.idx.add.f32.msk $0xffff, v63  }
.LBB2_14:
0xcf: {  	v3 =	vmov s31  }
0xd0: {  	v3 =	vshll.u32 v3, $0x3  }
0xd1: {  	v3 =	vor.u32 v0, v3  }
0xd2: {  	v3 =	vor.u32 v1, v3;
	_ =	sdelay $0x4  }
0xd3: {  	v4 =	vld.idx.msk [tilespmem:v3+s24+$0x0], $0xffff;
	_ =	sdelay $0x4  }
0xd4: {  	v4 =	vshll.u32 v4, $0x3  }
0xd5: {  	p2 =	sne.s32 s31, $0x1F2;
	v3 =	vld.idx.msk [tilespmem:v3+s25+$0x0], $0xffff;
	v4 =	vor.u32 v1, v4  }
.Ltmp8:
0xd6: {  	_ = 	snop;
	(pc) =	sbr.rel @p2 .LBB2_14-.Ltmp8, $2  }
0xd7: {  	_ =	sdelay $0x2  }
0xd8: {  	s31 =	sadd.s32 $0x2, s31;
	[tilespmem:v4+s3+$0x0] =	vst.idx.add.f32.msk $0xffff, v3  }
0xd9: {  	s10 =	sadd.s32 @!p1 s12, s15  }
0xda: {  	s10 =	sshll.u32 @!p1 s10, $0x4  }
0xdb: {  	s18 =	simm.s32 @!p1 $0x8;
	s10 =	sor.u32 @!p1 s4, s10  }
0xdc: {  	s19 =	simm.s32 @!p1 $0x80;
	s31 =	simm.s32 @!p1 $0x14820;
	s17 =	sadd.s32 @!p1 s1, s10  }
0xdd: {  	[tilespmem:s31], [sflag:$0x2] =	stream.strided.gather @!p1 [hbm4b:s17+s18], $0xFA0, s19, s18, $0x38;
	[tilespmem:$0x1B580] =	vst v63  }
0xde: {  	s17 =	simm.s32 $0x8  }
0xdf: {  	s10 =	sadd.s32 @!p1 s2, s10;
	s31 =	simm.s32 @!p1 $0x186A0;
	v3 =	vmov s17;
	s17 =	simm.s32 $0x2  }
0xe0: {  	[tilespmem:s31], [sflag:$0x6] =	stream.strided.gather @!p1 [hbm4b:s10+s18], $0xFA0, s19, s18, $0x38;
	v3 =	vshll.u32 v3, $0x3;
	[tilespmem:$0x1B580] =	vst v63  }
0xe1: {  	v4 =	vmov s17;
	_ =	swait.ge [sflag:s7], $0xFA0;
	v3 =	vor.u32 v0, v3  }
0xe2: {  	s31 =	simm.s32 $0x4;
	v4 =	vshll.u32 v4, $0x3;
	[sflag:s7] =	ssyncset.done $0x0;
	v5 =	vor.u32 v1, v3  }
0xe3: {  	s19 =	simm.s32 $0xC;
	v6 =	vmov s31;
	v4 =	vor.u32 v0, v4;
	[sflag:s7] =	ssyncadd.s32 $0xFFFFF060  }
0xe4: {  	v3 =	vmov s19;
	v6 =	vshll.u32 v6, $0x3;
	v4 =	vor.u32 v1, v4;
	_ =	swait.ge [sflag:s8], $0xFA0  }
0xe5: {  	v3 =	vshll.u32 v3, $0x3;
	v6 =	vor.u32 v0, v6;
	[sflag:s8] =	ssyncset.done $0x0  }
0xe6: {  	v3 =	vor.u32 v0, v3;
	v6 =	vor.u32 v1, v6;
	[sflag:s8] =	ssyncadd.s32 $0xFFFFF060  }
0xe7: {  	s17 =	simm.s32 $0xE;
	s18 =	simm.s32 $0x0;
	v8 =	vor.u32 v1, v3;
	v3 =	vld.idx.msk [tilespmem:v5+s28+$0x0], $0xffff  }
0xe8: {  	v7 =	vmov s17;
	v9 =	vmov s18;
	v12 =	vld.idx.msk [tilespmem:v5+s26+$0x0], $0xffff  }
0xe9: {  	s31 =	simm.s32 $0xA;
	v7 =	vshll.u32 v7, $0x3;
	v9 =	vshll.u32 v9, $0x3;
	v15 =	vld.idx.msk [tilespmem:v4+s26+$0x0], $0xffff  }
0xea: {  	s19 =	simm.s32 $0x6;
	v11 =	vmov s31;
	v9 =	vor.u32 v0, v9;
	v5 =	vor.u32 v0, v7;
	v7 =	vld.idx.msk [tilespmem:v4+s28+$0x0], $0xffff  }
0xeb: {  	v10 =	vor.u32 v1, v5;
	v4 =	vor.u32 v1, v9;
	v9 =	vmov s19;
	v5 =	vld.idx.msk [tilespmem:v6+s28+$0x0], $0xffff  }
0xec: {  	v13 =	vshll.u32 v11, $0x3;
	v9 =	vshll.u32 v9, $0x3;
	v17 =	vld.idx.msk [tilespmem:v8+s26+$0x0], $0xffff  }
0xed: {  	v13 =	vor.u32 v0, v13;
	v11 =	vld.idx.msk [tilespmem:v6+s26+$0x0], $0xffff;
	v6 =	vor.u32 v0, v9  }
0xee: {  	v9 =	vld.idx.msk [tilespmem:v8+s28+$0x0], $0xffff;
	v8 =	vor.u32 v1, v6;
	v6 =	vor.u32 v1, v13  }
0xef: {  	v14 =	vshll.u32 v12, $0x3  }
0xf0: {  	v12 =	vld.idx.msk [tilespmem:v10+s26+$0x0], $0xffff;
	v14 =	vor.u32 v1, v14  }
0xf1: {  	s18 =	simm.s32 $0x0;
	s19 =	simm.s32 $0x1E;
	v13 =	vld.idx.msk [tilespmem:v4+s26+$0x0], $0xffff;
	v16 =	vshll.u32 v15, $0x3;
	v15 =	vshll.u32 v17, $0x3  }
.LBB2_16:
0xf2: {  	s10 =	sadd.s32 $0xFFFFFFF2, s19;
	s17 =	sadd.s32 $0xFFFFFFF6, s19;
	s31 =	sadd.s32 $0xFFFFFFFA, s19;
	v17 =	vmov s19;
	v16 =	vor.u32 v1, v16;
	v15 =	vor.u32 v1, v15;
	v18 =	vld.idx.msk [tilespmem:v10+s28+$0x0], $0xffff  }
0xf3: {  	v10 =	vmov s10;
	s10 =	sadd.s32 $0xFFFFFFF4, s19;
	v19 =	vmov s17;
	s17 =	sadd.s32 $0xFFFFFFF8, s19;
	v20 =	vmov s31;
	s31 =	sadd.s32 $0xFFFFFFFE, s19;
	v21 =	vld.idx.msk [tilespmem:v6+s26+$0x0], $0xffff  }
0xf4: {  	s18 =	sadd.s32 $0x8, s18;
	v11 =	vshll.u32 v11, $0x3;
	v22 =	vmov s10;
	v20 =	vshll.u32 v20, $0x3;
	s10 =	sadd.s32 $0xFFFFFFFC, s19;
	v23 =	vld.idx.msk [tilespmem:v8+s28+$0x0], $0xffff  }
0xf5: {  	p2 =	slt.u32 s18, $0xF0;
	v11 =	vor.u32 v1, v11;
	v22 =	vshll.u32 v22, $0x3;
	v20 =	vor.u32 v0, v20;
	[tilespmem:v14+s3+$0x0] =	vst.idx.add.f32.msk $0xffff, v3  }
0xf6: {  	v12 =	vshll.u32 v12, $0x3;
	v3 =	vor.u32 v0, v22;
	v14 =	vor.u32 v1, v20;
	v20 =	vld.idx.msk [tilespmem:v8+s26+$0x0], $0xffff  }
0xf7: {  	v17 =	vshll.u32 v17, $0x3;
	v13 =	vshll.u32 v13, $0x3;
	v22 =	vor.u32 v1, v3;
	[tilespmem:v16+s3+$0x0] =	vst.idx.add.f32.msk $0xffff, v7  }
0xf8: {  	v3 =	vshll.u32 v10, $0x3;
	v7 =	vmov s17;
	v10 =	vmov s10;
	[tilespmem:v15+s3+$0x0] =	vst.idx.add.f32.msk $0xffff, v9  }
0xf9: {  	v8 =	vmov s31;
	v9 =	vor.u32 v0, v3;
	v3 =	vshll.u32 v19, $0x3;
	v15 =	vld.idx.msk [tilespmem:v4+s28+$0x0], $0xffff  }
0xfa: {  	v3 =	vor.u32 v0, v3;
	v4 =	vshll.u32 v7, $0x3;
	v7 =	vshll.u32 v8, $0x3;
	[tilespmem:v11+s3+$0x0] =	vst.idx.add.f32.msk $0xffff, v5  }
0xfb: {  	v16 =	vshll.u32 v21, $0x3;
	v11 =	vor.u32 v1, v3;
	v4 =	vor.u32 v0, v4;
	v3 =	vld.idx.msk [tilespmem:v14+s28+$0x0], $0xffff  }
0xfc: {  	v8 =	vor.u32 v1, v4;
	v4 =	vor.u32 v0, v7;
	v5 =	vshll.u32 v20, $0x3;
	v19 =	vld.idx.msk [tilespmem:v22+s26+$0x0], $0xffff  }
0xfd: {  	v20 =	vshll.u32 v10, $0x3;
	v7 =	vor.u32 v0, v17;
	v21 =	vor.u32 v1, v4;
	v14 =	vld.idx.msk [tilespmem:v14+s26+$0x0], $0xffff  }
0xfe: {  	v4 =	vor.u32 v1, v9;
	v10 =	vor.u32 v1, v7;
	v17 =	vld.idx.msk [tilespmem:v6+s28+$0x0], $0xffff;
	v6 =	vor.u32 v1, v12  }
0xff: {  	v9 =	vor.u32 v1, v13;
	v13 =	vor.u32 v1, v5;
	v12 =	vor.u32 v0, v20;
	v7 =	vld.idx.msk [tilespmem:v22+s28+$0x0], $0xffff  }
0x100: {  	v5 =	vld.idx.msk [tilespmem:v11+s28+$0x0], $0xffff  }
0x101: {  	v11 =	vld.idx.msk [tilespmem:v11+s26+$0x0], $0xffff  }
0x102: {  	v16 =	vor.u32 v1, v16;
	v20 =	vld.idx.msk [tilespmem:v21+s26+$0x0], $0xffff  }
0x103: {  	v14 =	vshll.u32 v14, $0x3;
	[tilespmem:v6+s3+$0x0] =	vst.idx.add.f32.msk $0xffff, v18  }
0x104: {  	[tilespmem:v9+s3+$0x0] =	vst.idx.add.f32.msk $0xffff, v15  }
.Ltmp9:
0x105: {  	v9 =	vld.idx.msk [tilespmem:v21+s28+$0x0], $0xffff;
	(pc) =	sbr.rel @p2 .LBB2_16-.Ltmp9, $4  }
0x106: {  	v6 =	vor.u32 v1, v12;
	[tilespmem:v13+s3+$0x0] =	vst.idx.add.f32.msk $0xffff, v23  }
0x107: {  	[tilespmem:v16+s3+$0x0] =	vst.idx.add.f32.msk $0xffff, v17  }
0x108: {  	v14 =	vor.u32 v1, v14;
	v12 =	vld.idx.msk [tilespmem:v10+s26+$0x0], $0xffff  }
0x109: {  	s19 =	sadd.s32 $0x10, s19;
	s31 =	simm.s32 $0x1F0;
	v16 =	vshll.u32 v19, $0x3;
	v15 =	vshll.u32 v20, $0x3;
	v13 =	vld.idx.msk [tilespmem:v4+s26+$0x0], $0xffff  }
0x10a: {  	_ =	sdelay $0x3  }
0x10b: {  	v10 =	vld.idx.msk [tilespmem:v10+s28+$0x0], $0xffff  }
0x10c: {  	v17 =	vld.idx.msk [tilespmem:v8+s26+$0x0], $0xffff  }
0x10d: {  	v16 =	vor.u32 v1, v16;
	v18 =	vld.idx.msk [tilespmem:v6+s26+$0x0], $0xffff  }
0x10e: {  	v15 =	vor.u32 v1, v15;
	v11 =	vshll.u32 v11, $0x3;
	v59 =	vld.idx.msk [tilespmem:v8+s28+$0x0], $0xffff  }
0x10f: {  	[tilespmem:v14+s3+$0x0] =	vst.idx.add.f32.msk $0xffff, v3;
	v11 =	vor.u32 v1, v11;
	v3 =	vshll.u32 v12, $0x3  }
0x110: {  	v4 =	vld.idx.msk [tilespmem:v4+s28+$0x0], $0xffff;
	v60 =	vshll.u32 v13, $0x3;
	v3 =	vor.u32 v1, v3  }
0x111: {  	v63 =	vld.idx.msk [tilespmem:v6+s28+$0x0], $0xffff;
	v61 =	vshll.u32 v17, $0x3;
	v12 =	vor.u32 v1, v60  }
0x112: {  	[tilespmem:v16+s3+$0x0] =	vst.idx.add.f32.msk $0xffff, v7;
	v62 =	vshll.u32 v18, $0x3;
	v7 =	vor.u32 v1, v61  }
0x113: {  	[tilespmem:v15+s3+$0x0] =	vst.idx.add.f32.msk $0xffff, v9;
	v9 =	vor.u32 v1, v62  }
0x114: {  	[tilespmem:v11+s3+$0x0] =	vst.idx.add.f32.msk $0xffff, v5  }
0x115: {  	[tilespmem:v3+s3+$0x0] =	vst.idx.add.f32.msk $0xffff, v10  }
0x116: {  	[tilespmem:v12+s3+$0x0] =	vst.idx.add.f32.msk $0xffff, v4  }
0x117: {  	[tilespmem:v7+s3+$0x0] =	vst.idx.add.f32.msk $0xffff, v59  }
0x118: {  	[tilespmem:v9+s3+$0x0] =	vst.idx.add.f32.msk $0xffff, v63  }
.LBB2_18:
0x119: {  	v3 =	vmov s31  }
0x11a: {  	v3 =	vshll.u32 v3, $0x3  }
0x11b: {  	v3 =	vor.u32 v0, v3  }
0x11c: {  	v3 =	vor.u32 v1, v3;
	_ =	sdelay $0x4  }
0x11d: {  	v4 =	vld.idx.msk [tilespmem:v3+s26+$0x0], $0xffff;
	_ =	sdelay $0x4  }
0x11e: {  	v4 =	vshll.u32 v4, $0x3  }
0x11f: {  	p2 =	sne.s32 s31, $0x1F2;
	v3 =	vld.idx.msk [tilespmem:v3+s28+$0x0], $0xffff;
	v4 =	vor.u32 v1, v4  }
.Ltmp10:
0x120: {  	_ = 	snop;
	(pc) =	sbr.rel @p2 .LBB2_18-.Ltmp10, $2  }
0x121: {  	_ =	sdelay $0x2  }
0x122: {  	s31 =	sadd.s32 $0x2, s31;
	[tilespmem:v4+s3+$0x0] =	vst.idx.add.f32.msk $0xffff, v3  }
0x123: {  	s10 =	sadd.s32 @!p1 s12, s16  }
0x124: {  	s10 =	sshll.u32 @!p1 s10, $0x4  }
0x125: {  	s17 =	simm.s32 @!p1 $0x8;
	s18 =	simm.s32 @!p1 $0x80;
	s10 =	sor.u32 @!p1 s4, s10  }
0x126: {  	s19 =	simm.s32 @!p1 $0x157C0;
	s31 =	simm.s32 $0x8;
	s12 =	sadd.s32 @!p1 s1, s10  }
0x127: {  	[tilespmem:s19], [sflag:$0x3] =	stream.strided.gather @!p1 [hbm4b:s12+s17], $0xFA0, s18, s17, $0x38;
	[tilespmem:$0x1B580] =	vst v63  }
0x128: {  	v3 =	vmov s31;
	s31 =	simm.s32 $0x2;
	s10 =	sadd.s32 @!p1 s2, s10;
	s19 =	simm.s32 @!p1 $0x19640  }
0x129: {  	v4 =	vmov s31;
	v3 =	vshll.u32 v3, $0x3;
	[tilespmem:s19], [sflag:$0x7] =	stream.strided.gather @!p1 [hbm4b:s10+s17], $0xFA0, s18, s17, $0x38;
	[tilespmem:$0x1B580] =	vst v63  }
0x12a: {  	v4 =	vshll.u32 v4, $0x3;
	v3 =	vor.u32 v0, v3;
	_ =	swait.ge [sflag:s9], $0xFA0  }
0x12b: {  	s31 =	simm.s32 $0x4;
	v4 =	vor.u32 v0, v4;
	v5 =	vor.u32 v1, v3;
	[sflag:s9] =	ssyncset.done $0x0  }
0x12c: {  	v6 =	vmov s31;
	v4 =	vor.u32 v1, v4;
	s19 =	simm.s32 $0xC;
	[sflag:s9] =	ssyncadd.s32 $0xFFFFF060  }
0x12d: {  	v6 =	vshll.u32 v6, $0x3;
	v3 =	vmov s19;
	_ =	swait.ge [sflag:s20], $0xFA0  }
0x12e: {  	v6 =	vor.u32 v0, v6;
	v3 =	vshll.u32 v3, $0x3;
	[sflag:s20] =	ssyncset.done $0x0  }
0x12f: {  	v6 =	vor.u32 v1, v6;
	v3 =	vor.u32 v0, v3;
	[sflag:s20] =	ssyncadd.s32 $0xFFFFF060  }
0x130: {  	s17 =	simm.s32 $0xE;
	s18 =	simm.s32 $0x0;
	v8 =	vor.u32 v1, v3;
	v3 =	vld.idx.msk [tilespmem:v5+s30+$0x0], $0xffff  }
0x131: {  	v7 =	vmov s17;
	v9 =	vmov s18;
	v15 =	vld.idx.msk [tilespmem:v4+s29+$0x0], $0xffff  }
0x132: {  	s31 =	simm.s32 $0xA;
	v7 =	vshll.u32 v7, $0x3;
	v9 =	vshll.u32 v9, $0x3;
	v12 =	vld.idx.msk [tilespmem:v5+s29+$0x0], $0xffff  }
0x133: {  	v11 =	vmov s31;
	s19 =	simm.s32 $0x6;
	v9 =	vor.u32 v0, v9;
	v5 =	vor.u32 v0, v7;
	v7 =	vld.idx.msk [tilespmem:v4+s30+$0x0], $0xffff  }
0x134: {  	v13 =	vshll.u32 v11, $0x3;
	v4 =	vor.u32 v1, v9;
	v9 =	vmov s19;
	v11 =	vld.idx.msk [tilespmem:v6+s29+$0x0], $0xffff  }
0x135: {  	v10 =	vor.u32 v1, v5;
	v9 =	vshll.u32 v9, $0x3;
	v17 =	vld.idx.msk [tilespmem:v8+s29+$0x0], $0xffff  }
0x136: {  	v13 =	vor.u32 v0, v13;
	v5 =	vld.idx.msk [tilespmem:v6+s30+$0x0], $0xffff;
	v6 =	vor.u32 v0, v9  }
0x137: {  	v9 =	vld.idx.msk [tilespmem:v8+s30+$0x0], $0xffff;
	v8 =	vor.u32 v1, v6;
	v6 =	vor.u32 v1, v13  }
0x138: {  	v14 =	vshll.u32 v12, $0x3  }
0x139: {  	v13 =	vld.idx.msk [tilespmem:v4+s29+$0x0], $0xffff;
	v14 =	vor.u32 v1, v14  }
0x13a: {  	s12 =	simm.s32 $0x0;
	s18 =	simm.s32 $0x1E;
	v16 =	vshll.u32 v15, $0x3;
	v12 =	vld.idx.msk [tilespmem:v10+s29+$0x0], $0xffff;
	v15 =	vshll.u32 v17, $0x3  }
.LBB2_20:
0x13b: {  	s10 =	sadd.s32 $0xFFFFFFF2, s18;
	s17 =	sadd.s32 $0xFFFFFFF6, s18;
	s19 =	sadd.s32 $0xFFFFFFFA, s18;
	v17 =	vmov s18;
	v16 =	vor.u32 v1, v16;
	v15 =	vor.u32 v1, v15;
	v18 =	vld.idx.msk [tilespmem:v10+s30+$0x0], $0xffff  }
0x13c: {  	v10 =	vmov s10;
	s10 =	sadd.s32 $0xFFFFFFF4, s18;
	v19 =	vmov s17;
	s17 =	sadd.s32 $0xFFFFFFF8, s18;
	v20 =	vmov s19;
	s19 =	sadd.s32 $0xFFFFFFFE, s18;
	v21 =	vld.idx.msk [tilespmem:v6+s29+$0x0], $0xffff  }
0x13d: {  	s12 =	sadd.s32 $0x8, s12;
	v11 =	vshll.u32 v11, $0x3;
	v22 =	vmov s10;
	v20 =	vshll.u32 v20, $0x3;
	s10 =	sadd.s32 $0xFFFFFFFC, s18;
	v23 =	vld.idx.msk [tilespmem:v8+s30+$0x0], $0xffff  }
0x13e: {  	p2 =	slt.u32 s12, $0xF0;
	v11 =	vor.u32 v1, v11;
	v22 =	vshll.u32 v22, $0x3;
	v20 =	vor.u32 v0, v20;
	[tilespmem:v14+s3+$0x0] =	vst.idx.add.f32.msk $0xffff, v3  }
0x13f: {  	v12 =	vshll.u32 v12, $0x3;
	v3 =	vor.u32 v0, v22;
	v14 =	vor.u32 v1, v20;
	v20 =	vld.idx.msk [tilespmem:v8+s29+$0x0], $0xffff  }
0x140: {  	v17 =	vshll.u32 v17, $0x3;
	v13 =	vshll.u32 v13, $0x3;
	v22 =	vor.u32 v1, v3;
	[tilespmem:v16+s3+$0x0] =	vst.idx.add.f32.msk $0xffff, v7  }
0x141: {  	v3 =	vshll.u32 v10, $0x3;
	v7 =	vmov s17;
	v10 =	vmov s10;
	[tilespmem:v15+s3+$0x0] =	vst.idx.add.f32.msk $0xffff, v9  }
0x142: {  	v8 =	vmov s19;
	v9 =	vor.u32 v0, v3;
	v3 =	vshll.u32 v19, $0x3;
	v15 =	vld.idx.msk [tilespmem:v4+s30+$0x0], $0xffff  }
0x143: {  	v3 =	vor.u32 v0, v3;
	v4 =	vshll.u32 v7, $0x3;
	v7 =	vshll.u32 v8, $0x3;
	[tilespmem:v11+s3+$0x0] =	vst.idx.add.f32.msk $0xffff, v5  }
0x144: {  	v16 =	vshll.u32 v21, $0x3;
	v11 =	vor.u32 v1, v3;
	v4 =	vor.u32 v0, v4;
	v3 =	vld.idx.msk [tilespmem:v14+s30+$0x0], $0xffff  }
0x145: {  	v8 =	vor.u32 v1, v4;
	v4 =	vor.u32 v0, v7;
	v5 =	vshll.u32 v20, $0x3;
	v19 =	vld.idx.msk [tilespmem:v22+s29+$0x0], $0xffff  }
0x146: {  	v20 =	vshll.u32 v10, $0x3;
	v7 =	vor.u32 v0, v17;
	v21 =	vor.u32 v1, v4;
	v14 =	vld.idx.msk [tilespmem:v14+s29+$0x0], $0xffff  }
0x147: {  	v4 =	vor.u32 v1, v9;
	v10 =	vor.u32 v1, v7;
	v17 =	vld.idx.msk [tilespmem:v6+s30+$0x0], $0xffff;
	v6 =	vor.u32 v1, v12  }
0x148: {  	v9 =	vor.u32 v1, v13;
	v13 =	vor.u32 v1, v5;
	v12 =	vor.u32 v0, v20;
	v7 =	vld.idx.msk [tilespmem:v22+s30+$0x0], $0xffff  }
0x149: {  	v5 =	vld.idx.msk [tilespmem:v11+s30+$0x0], $0xffff  }
0x14a: {  	v11 =	vld.idx.msk [tilespmem:v11+s29+$0x0], $0xffff  }
0x14b: {  	v16 =	vor.u32 v1, v16;
	v20 =	vld.idx.msk [tilespmem:v21+s29+$0x0], $0xffff  }
0x14c: {  	v14 =	vshll.u32 v14, $0x3;
	[tilespmem:v6+s3+$0x0] =	vst.idx.add.f32.msk $0xffff, v18  }
0x14d: {  	[tilespmem:v9+s3+$0x0] =	vst.idx.add.f32.msk $0xffff, v15  }
.Ltmp11:
0x14e: {  	v9 =	vld.idx.msk [tilespmem:v21+s30+$0x0], $0xffff;
	(pc) =	sbr.rel @p2 .LBB2_20-.Ltmp11, $4  }
0x14f: {  	v6 =	vor.u32 v1, v12;
	[tilespmem:v13+s3+$0x0] =	vst.idx.add.f32.msk $0xffff, v23  }
0x150: {  	[tilespmem:v16+s3+$0x0] =	vst.idx.add.f32.msk $0xffff, v17  }
0x151: {  	v14 =	vor.u32 v1, v14;
	v12 =	vld.idx.msk [tilespmem:v10+s29+$0x0], $0xffff  }
0x152: {  	s18 =	sadd.s32 $0x10, s18;
	s19 =	simm.s32 $0x1F0;
	v16 =	vshll.u32 v19, $0x3;
	v15 =	vshll.u32 v20, $0x3;
	v13 =	vld.idx.msk [tilespmem:v4+s29+$0x0], $0xffff  }
0x153: {  	_ =	sdelay $0x3  }
0x154: {  	v10 =	vld.idx.msk [tilespmem:v10+s30+$0x0], $0xffff  }
0x155: {  	v17 =	vld.idx.msk [tilespmem:v8+s29+$0x0], $0xffff  }
0x156: {  	v16 =	vor.u32 v1, v16;
	v18 =	vld.idx.msk [tilespmem:v6+s29+$0x0], $0xffff  }
0x157: {  	v15 =	vor.u32 v1, v15;
	v11 =	vshll.u32 v11, $0x3;
	v59 =	vld.idx.msk [tilespmem:v8+s30+$0x0], $0xffff  }
0x158: {  	[tilespmem:v14+s3+$0x0] =	vst.idx.add.f32.msk $0xffff, v3;
	v11 =	vor.u32 v1, v11;
	v3 =	vshll.u32 v12, $0x3  }
0x159: {  	v4 =	vld.idx.msk [tilespmem:v4+s30+$0x0], $0xffff;
	v60 =	vshll.u32 v13, $0x3;
	v3 =	vor.u32 v1, v3  }
0x15a: {  	v63 =	vld.idx.msk [tilespmem:v6+s30+$0x0], $0xffff;
	v61 =	vshll.u32 v17, $0x3;
	v12 =	vor.u32 v1, v60  }
0x15b: {  	[tilespmem:v16+s3+$0x0] =	vst.idx.add.f32.msk $0xffff, v7;
	v62 =	vshll.u32 v18, $0x3;
	v7 =	vor.u32 v1, v61  }
0x15c: {  	[tilespmem:v15+s3+$0x0] =	vst.idx.add.f32.msk $0xffff, v9;
	v9 =	vor.u32 v1, v62  }
0x15d: {  	[tilespmem:v11+s3+$0x0] =	vst.idx.add.f32.msk $0xffff, v5  }
0x15e: {  	[tilespmem:v3+s3+$0x0] =	vst.idx.add.f32.msk $0xffff, v10  }
0x15f: {  	[tilespmem:v12+s3+$0x0] =	vst.idx.add.f32.msk $0xffff, v4  }
0x160: {  	[tilespmem:v7+s3+$0x0] =	vst.idx.add.f32.msk $0xffff, v59  }
0x161: {  	[tilespmem:v9+s3+$0x0] =	vst.idx.add.f32.msk $0xffff, v63  }
.LBB2_22:
0x162: {  	v3 =	vmov s19  }
0x163: {  	v3 =	vshll.u32 v3, $0x3  }
0x164: {  	v3 =	vor.u32 v0, v3  }
0x165: {  	v3 =	vor.u32 v1, v3;
	_ =	sdelay $0x4  }
0x166: {  	v4 =	vld.idx.msk [tilespmem:v3+s29+$0x0], $0xffff;
	_ =	sdelay $0x4  }
0x167: {  	v4 =	vshll.u32 v4, $0x3  }
0x168: {  	p2 =	sne.s32 s19, $0x1F2;
	v3 =	vld.idx.msk [tilespmem:v3+s30+$0x0], $0xffff;
	v4 =	vor.u32 v1, v4  }
.Ltmp12:
0x169: {  	_ = 	snop;
	(pc) =	sbr.rel @p2 .LBB2_22-.Ltmp12, $2  }
0x16a: {  	_ =	sdelay $0x2  }
0x16b: {  	s19 =	sadd.s32 $0x2, s19;
	[tilespmem:v4+s3+$0x0] =	vst.idx.add.f32.msk $0xffff, v3  }
.Ltmp13:
0x16c: {  	(pc) =	sbr.rel @p1 .LBB2_25-.Ltmp13, $1  }
0x16d: {  	_ =	sdelay $0x3  }
0x16e: {  	s10 =	smul.u32 $0x7D0, s11  }
0x16f: {  	s12 =	rddreg [dreg:$0xe]  }
0x170: {  	s10 =	sadd.s32 s10, s12  }
0x171: {  	s10 =	sshll.u32 s10, $0x4  }
.Ltmp14:
0x172: {  	s10 =	sor.u32 s4, s10;
	(pc) =	sbr.rel .LBB2_7-.Ltmp14, $4  }
0x173: {  	s31 =	sadd.s32 s1, s10  }
0x174: {  	[tilespmem:s29], [sflag:$0x4] =	stream.strided.gather [hbm4b:s31+s20], $0xFA0, s21, s20, $0x38;
	[tilespmem:$0x1B580] =	vst v63  }
0x175: {  	s11 =	sadd.s32 $0x1, s11;
	s10 =	sadd.s32 s2, s10  }
0x176: {  	[tilespmem:s30], [sflag:$0x8] =	stream.strided.gather [hbm4b:s10+s20], $0xFA0, s21, s20, $0x38;
	[tilespmem:$0x1B580] =	vst v63  }
.LBB2_26:
0x177: {  	_ =	sfence.sel $0x180000  }
0x178: {  	[bflag:$0x0] =	sbarrier.arrive $0xFFFF  }
0x179: {  	_ =	strace $0x90000047  }
0x17a: {  	[bflag:$0x2] =	sbarrier.arrive $0xFFFF  }
0x17b: {  	p0 =	sne.s32 s4, $0x0;
	s0 =	rddreg [dreg:$0x4]  }
0x17c: {  	s0 =	sadd.s32 @!p0 $0x100000, s0  }
0x17d: {  	[sflag:s0] =	ssyncadd.tile.s32 @!p0 $0x1;
	_ =	shalt  }
.Lfunc_end2:
_tile_overlayer_lowered:
.L_overlay_start_2:
0x17e: {  	(tag) =	ssettag $0x2  }
0x17f: {  	s0 =	rddreg [dreg:$0x0];
	s2 =	stileid.u32  }
0x180: {  	s1 =	rddreg [dreg:$0x1];
	p0 =	sne.s32 s2, $0x0  }
0x181: {  	s3 =	rddreg [dreg:$0x2];
	[bflag:$0x3] =	sbarrier.arrive $0xFFFF;
	s2 =	simm.s32 @!p0 $0x1C09  }
0x182: {  	[timem:s3], [sflag:s2] =	dma.local @!p0 [hbm:s0], s1  }
0x183: {  	s0 =	simm.s32 @!p0 $0x9  }
0x184: {  	_ =	swait.ge @!p0 [sflag:s0], s1  }
0x185: {  	s1 =	ssub.s32 @!p0 $0x0, s1;
	[sflag:s0] =	ssyncset.done @!p0 $0x0  }
0x186: {  	[sflag:s0] =	ssyncadd.s32 @!p0 s1  }
0x187: {  	[bflag:$0x3] =	sbarrier.arrive $0xFFFF  }
0x188: {  	_ =	shalt  }

</sc_bundles>
